<compile_context>
chip_gen: v7x
topology: tpu7x:2x2x1
jax: 0.10.2.dev20260603
libtpu: 0.0.44.dev20260713+nightly
codegen_flags: <defaults>
</compile_context>

<pallas_src>
import jax
import jax.numpy as jnp
from jax import lax
from jax.experimental import pallas as pl
from jax.experimental.pallas import tpu as pltpu
from jax.experimental.pallas import tpu_sc as plsc

N_AT = 100000
N_BD = 1600000
NGRAPH = 4096

NC = 2
NS = 16
NW = NC * NS

f32 = jnp.float32
i32 = jnp.int32


def _ce_cm(x, lab):
    m = jnp.max(x, axis=0)
    lse = m + jnp.log(jnp.sum(jnp.exp(x - m[None]), axis=0))
    ids = lax.broadcasted_iota(i32, x.shape, 0)
    picked = jnp.sum(jnp.where(ids == lab[None], x, 0.0), axis=0)
    return lse - picked


def _bond_ce_body(x_ref, lab_ref, o_ref):
    o_ref[...] = _ce_cm(x_ref[...], lab_ref[...])


def _bond_ce(pred_bonds, true_bonds):
    ROWS = N_BD // 128
    ROWSP = 12800
    B2 = 512
    grid = ROWSP // B2
    xT = jnp.pad(pred_bonds.T.reshape(5, ROWS, 128),
                 ((0, 0), (0, ROWSP - ROWS), (0, 0)))
    lab = jnp.pad(true_bonds.reshape(ROWS, 128), ((0, ROWSP - ROWS), (0, 0)))
    ce2 = pl.pallas_call(
        _bond_ce_body,
        grid=(grid,),
        in_specs=[
            pl.BlockSpec((5, B2, 128), lambda i: (0, i, 0)),
            pl.BlockSpec((B2, 128), lambda i: (i, 0)),
        ],
        out_specs=pl.BlockSpec((B2, 128), lambda i: (i, 0)),
        out_shape=jax.ShapeDtypeStruct((ROWSP, 128), f32),
    )(xT, lab)
    return ce2.reshape(ROWSP * 128)


_APAD = 102400
_AROWS = _APAD // 128


def _atom_body(pc_ref, tc_ref, pa_ref, ta_ref, pq_ref, tq_ref,
               o_mse_ref, o_a_ref, o_q_ref):
    d = pc_ref[...] - tc_ref[...]
    o_mse_ref[...] = jnp.sum(d * d, axis=0) * (1.0 / 3.0)
    o_a_ref[...] = _ce_cm(pa_ref[...], ta_ref[...])
    o_q_ref[...] = _ce_cm(pq_ref[...], tq_ref[...])


def _atom_losses(pc, tc, pa, ta, pq, tq):
    AB = 160
    grid = _AROWS // AB
    npad = _APAD - N_AT

    def padT(x, c):
        return jnp.pad(x.T, ((0, 0), (0, npad))).reshape(c, _AROWS, 128)

    def padL(x):
        return jnp.pad(x, (0, npad)).reshape(_AROWS, 128)

    def cspec(c):
        return pl.BlockSpec((c, AB, 128), lambda i: (0, i, 0))

    lspec = pl.BlockSpec((AB, 128), lambda i: (i, 0))
    out_sh = jax.ShapeDtypeStruct((_AROWS, 128), f32)
    outs = pl.pallas_call(
        _atom_body,
        grid=(grid,),
        in_specs=[cspec(3), cspec(3), cspec(16), lspec, cspec(6), lspec],
        out_specs=[lspec, lspec, lspec],
        out_shape=[out_sh, out_sh, out_sh],
    )(padT(pc, 3), padT(tc, 3), padT(pa, 16), padL(ta), padT(pq, 6), padL(tq))
    return tuple(o.reshape(_APAD) for o in outs)


_BCHUNK = 2000
_NPAIR = NW // 2
_BOND_PER_PAIR = N_BD // _NPAIR


def _sc_bond_scatter_body(ce_hbm, idx_hbm, zeros_hbm, sums_hbm, cnts_hbm,
                          acc, ce0, ce1, idx0, idx1, sem0, sem1):
    w = lax.axis_index("s") * NC + lax.axis_index("c")
    pair = w // 2
    kind = w % 2
    base = pair * _BOND_PER_PAIR
    n_chunks = _BOND_PER_PAIR // _BCHUNK

    pltpu.sync_copy(zeros_hbm, acc)
    ones = jnp.full((16,), 1.0, f32)
    is_sum = kind == 0

    def start(off, ce_v, idx_v, sem):
        @pl.when(is_sum)
        def _():
            pltpu.async_copy(ce_hbm.at[pl.ds(off, _BCHUNK)], ce_v, sem)
        pltpu.async_copy(idx_hbm.at[pl.ds(off, _BCHUNK)], idx_v, sem)

    def wait(ce_v, idx_v, sem):
        @pl.when(is_sum)
        def _():
            pltpu.make_async_copy(ce_hbm.at[pl.ds(0, _BCHUNK)], ce_v, sem).wait()
        pltpu.make_async_copy(idx_hbm.at[pl.ds(0, _BCHUNK)], idx_v, sem).wait()

    def process(ce_v, idx_v):
        @pl.when(is_sum)
        def _():
            @plsc.parallel_loop(0, _BCHUNK // 16, unroll=8)
            def grp_s(j):
                iv = idx_v[pl.ds(j * 16, 16)]
                plsc.addupdate_scatter(acc, [iv], ce_v[pl.ds(j * 16, 16)])

        @pl.when(jnp.logical_not(is_sum))
        def _():
            @plsc.parallel_loop(0, _BCHUNK // 16, unroll=8)
            def grp_c(j):
                plsc.addupdate_scatter(acc, [idx_v[pl.ds(j * 16, 16)]], ones)

    start(base, ce0, idx0, sem0)

    def outer(k, carry):
        off = base + 2 * k * _BCHUNK
        start(off + _BCHUNK, ce1, idx1, sem1)
        wait(ce0, idx0, sem0)
        process(ce0, idx0)

        @pl.when(k < n_chunks // 2 - 1)
        def _():
            start(off + 2 * _BCHUNK, ce0, idx0, sem0)

        wait(ce1, idx1, sem1)
        process(ce1, idx1)
        return carry

    lax.fori_loop(0, n_chunks // 2, outer, 0)

    @pl.when(is_sum)
    def _():
        pltpu.sync_copy(acc, sums_hbm.at[pair])

    @pl.when(jnp.logical_not(is_sum))
    def _():
        pltpu.sync_copy(acc, cnts_hbm.at[pair])


def _sc_bond_scatter(ce, idx, zeros_full):
    mesh = plsc.VectorSubcoreMesh(core_axis_name="c", subcore_axis_name="s",
                                  num_cores=NC, num_subcores=NS)
    out = jax.ShapeDtypeStruct((_NPAIR, N_AT), f32)
    return pl.kernel(
        _sc_bond_scatter_body,
        out_type=(out, out),
        mesh=mesh,
        compiler_params=pltpu.CompilerParams(needs_layout_passes=False),
        scratch_types=[
            pltpu.VMEM((N_AT,), f32),
            pltpu.VMEM((_BCHUNK,), f32),
            pltpu.VMEM((_BCHUNK,), f32),
            pltpu.VMEM((_BCHUNK,), i32),
            pltpu.VMEM((_BCHUNK,), i32),
            pltpu.SemaphoreType.DMA,
            pltpu.SemaphoreType.DMA,
        ],
    )(ce, idx, zeros_full)


def _bond_mean_body(s_ref, c_ref, o_ref):
    s = jnp.sum(s_ref[...], axis=0)
    c = jnp.sum(c_ref[...], axis=0)
    o_ref[...] = 0.5 * s / c


def _bond_mean(sums_p, cnts_p):
    return pl.pallas_call(
        _bond_mean_body,
        out_shape=jax.ShapeDtypeStruct((N_AT,), f32),
    )(sums_p, cnts_p)


_AWORK = 25
_ACHUNK = N_AT // _AWORK


def _sc_atom_scatter_body(bat_hbm, v0_hbm, v1_hbm, v2_hbm, v3_hbm,
                          zeros_hbm, out_hbm,
                          acc, bat_v, s0, s1, s2, s3, sem):
    w = lax.axis_index("s") * NC + lax.axis_index("c")

    @pl.when(w < _AWORK)
    def _():
        base = w * _ACHUNK
        sl_in = pl.ds(base, _ACHUNK)
        pltpu.sync_copy(zeros_hbm, acc)
        pltpu.async_copy(bat_hbm.at[sl_in], bat_v, sem)
        pltpu.async_copy(v0_hbm.at[sl_in], s0, sem)
        pltpu.async_copy(v1_hbm.at[sl_in], s1, sem)
        pltpu.async_copy(v2_hbm.at[sl_in], s2, sem)
        pltpu.async_copy(v3_hbm.at[sl_in], s3, sem)
        pltpu.make_async_copy(bat_hbm.at[sl_in], bat_v, sem).wait()
        for s in (s0, s1, s2, s3):
            pltpu.make_async_copy(v0_hbm.at[sl_in], s, sem).wait()

        ones = jnp.full((16,), 1.0, f32)
        rows = [jnp.full((16,), q, i32) for q in range(5)]

        @plsc.parallel_loop(0, _ACHUNK // 16, unroll=4)
        def grp(j):
            sl = pl.ds(j * 16, 16)
            iv = bat_v[sl]
            plsc.addupdate_scatter(acc, [rows[0], iv], s0[sl])
            plsc.addupdate_scatter(acc, [rows[1], iv], s1[sl])
            plsc.addupdate_scatter(acc, [rows[2], iv], s2[sl])
            plsc.addupdate_scatter(acc, [rows[3], iv], s3[sl])
            plsc.addupdate_scatter(acc, [rows[4], iv], ones)

        pltpu.sync_copy(acc, out_hbm.at[w])


def _sc_atom_scatter(bat, v0, v1, v2, v3, zeros_g5):
    mesh = plsc.VectorSubcoreMesh(core_axis_name="c", subcore_axis_name="s",
                                  num_cores=NC, num_subcores=NS)
    stage_f = pltpu.VMEM((_ACHUNK,), f32)
    return pl.kernel(
        _sc_atom_scatter_body,
        out_type=jax.ShapeDtypeStruct((_AWORK, 5, NGRAPH), f32),
        mesh=mesh,
        compiler_params=pltpu.CompilerParams(needs_layout_passes=False),
        scratch_types=[
            pltpu.VMEM((5, NGRAPH), f32),
            pltpu.VMEM((_ACHUNK,), i32),
            stage_f, stage_f, stage_f, stage_f,
            pltpu.SemaphoreType.DMA,
        ],
    )(bat, v0, v1, v2, v3, zeros_g5)


def _final_body(a_ref, w_ref, o_ref):
    S = jnp.sum(a_ref[...], axis=0)
    c = S[4:5]
    v = S[0:4] / c
    v = jnp.where(jnp.isnan(v), 0.0, v)
    losses = jnp.sum(v * w_ref[...][None, :], axis=-1)
    o_ref[...] = jnp.concatenate([losses, jnp.zeros((4,), f32)])


def _final(acc_p, weights):
    return pl.pallas_call(
        _final_body,
        out_shape=jax.ShapeDtypeStruct((8,), f32),
    )(acc_p, weights)


def kernel(pred_coords, true_coords, pred_atoms, true_atoms, pred_charges,
           true_charges, pred_bonds, true_bonds, batch,
           bond_aggregation_index, weights):
    true_bonds = true_bonds.astype(i32)
    true_atoms = true_atoms.astype(i32)
    true_charges = true_charges.astype(i32)
    batch = batch.astype(i32)
    bai = bond_aggregation_index.astype(i32)

    zeros_full = jnp.zeros((N_AT,), f32)
    ce_bonds = _bond_ce(pred_bonds, true_bonds)
    sums_p, cnts_p = _sc_bond_scatter(ce_bonds, bai, zeros_full)
    mse, ce_a, ce_q = _atom_losses(pred_coords, true_coords, pred_atoms,
                                   true_atoms, pred_charges, true_charges)
    m = _bond_mean(sums_p, cnts_p)

    zeros_g5 = jnp.zeros((5, NGRAPH), f32)
    acc_p = _sc_atom_scatter(batch, mse, ce_a, ce_q, m, zeros_g5)

    out8 = _final(acc_p, weights)
    return (out8[0], out8[1], out8[2], out8[3], out8[4])

# --- scband reference (transcript-rebuilt; emitter-appended) ---
"""Pipeline reference for scband-diffusion-loss-9328668967243 (READ-ONLY COPY).

The authoritative reference and input builder live on the scoring server;
editing this copy changes nothing except your own understanding.
"""

import jax, jax.numpy as jnp
import numpy as np

N_ATOMS = 100000
N_BONDS = 1600000
BATCH_SIZE = 4096
N_ATOM_TYPES = 16
N_CHARGES = 6
N_BOND_TYPES = 5


def setup_inputs(seed: int = 0) -> dict:
    key = jax.random.key(seed)
    ks = jax.random.split(key, 11)
    return {
        "pred_coords": jax.random.normal(ks[0], (N_ATOMS, 3), dtype=jnp.float32),
        "true_coords": jax.random.normal(ks[1], (N_ATOMS, 3), dtype=jnp.float32),
        "pred_atoms": jax.random.normal(ks[2], (N_ATOMS, N_ATOM_TYPES), dtype=jnp.float32),
        "true_atoms": jax.random.randint(ks[3], (N_ATOMS,), 0, N_ATOM_TYPES),
        "pred_charges": jax.random.normal(ks[4], (N_ATOMS, N_CHARGES), dtype=jnp.float32),
        "true_charges": jax.random.randint(ks[5], (N_ATOMS,), 0, N_CHARGES),
        "pred_bonds": jax.random.normal(ks[6], (N_BONDS, N_BOND_TYPES), dtype=jnp.float32),
        "true_bonds": jax.random.randint(ks[7], (N_BONDS,), 0, N_BOND_TYPES),
        "batch": jnp.sort(jax.random.randint(ks[8], (N_ATOMS,), 0, BATCH_SIZE)),
        "bond_aggregation_index": jax.random.randint(ks[9], (N_BONDS,), 0, N_ATOMS),
        "weights": jax.random.uniform(ks[10], (BATCH_SIZE,), dtype=jnp.float32),
    }


def _cross_entropy(logits, labels):
    lse = jax.nn.logsumexp(logits, axis=-1)
    picked = jnp.take_along_axis(logits, labels[:, None], axis=-1)[:, 0]
    return lse - picked


def _scatter_mean(x, idx, num_segments):
    s = jax.ops.segment_sum(x, idx, num_segments=num_segments)
    c = jax.ops.segment_sum(jnp.ones_like(x), idx, num_segments=num_segments)
    return s / c


def _drop_nans(v):
    # torch code filters NaN entries (empty segments); since the filtered loss is
    # then multiplied by per-graph weights and summed, zeroing NaNs is the
    # jit-compatible equivalent when indices align (the no-NaN common case).
    return jnp.where(jnp.isnan(v), 0.0, v)


def reference(pred_coords, true_coords, pred_atoms, true_atoms, pred_charges,
              true_charges, pred_bonds, true_bonds, batch,
              bond_aggregation_index, weights):
    batch_size = weights.shape[0]
    n_atoms = pred_atoms.shape[0]

    # coords regression (MSE per-atom mean over xyz, scatter_mean per graph)
    regr = jnp.mean((pred_coords - true_coords) ** 2, axis=-1)
    regr = _drop_nans(_scatter_mean(regr, batch, batch_size)) * weights
    regr_loss = jnp.sum(regr)

    atoms = _cross_entropy(pred_atoms, true_atoms)
    atoms = _drop_nans(_scatter_mean(atoms, batch, batch_size)) * weights
    atoms_loss = jnp.sum(atoms)

    charges = _cross_entropy(pred_charges, true_charges)
    charges = _drop_nans(_scatter_mean(charges, batch, batch_size)) * weights
    charges_loss = jnp.sum(charges)

    bonds = _cross_entropy(pred_bonds, true_bonds)
    bonds = 0.5 * _scatter_mean(bonds, bond_aggregation_index, n_atoms)
    bonds = _drop_nans(_scatter_mean(bonds, batch, batch_size)) * weights
    bonds_loss = jnp.sum(bonds)

    numHs_loss = jnp.asarray(0.0, dtype=jnp.float32)  # 'numHs' not in modalities
    return (regr_loss, atoms_loss, charges_loss, bonds_loss, numHs_loss)

if __name__ == "__main__":
    import jax
    _d = setup_inputs()
    print(jax.jit(kernel)(*tuple(_d.values())))

</pallas_src>

<mosaic_0001>
#map = affine_map<(d0, d1) -> (0)>
#map1 = affine_map<(d0, d1) -> (0, 0)>
module attributes {stable_mosaic.version = 14 : i64} {
  func.func @_sc_bond_scatter_body(%arg0: i32, %arg1: i32, %arg2: memref<1638400xf32, #tpu.memory_space<hbm>>, %arg3: memref<1600000xi32, #tpu.memory_space<hbm>>, %arg4: memref<100000xf32, #tpu.memory_space<hbm>>, %arg5: memref<16x100000xf32, #tpu.memory_space<hbm>>, %arg6: memref<16x100000xf32, #tpu.memory_space<hbm>>, %arg7: memref<100000xf32, #tpu.memory_space<vmem>>, %arg8: memref<2000xf32, #tpu.memory_space<vmem>>, %arg9: memref<2000xf32, #tpu.memory_space<vmem>>, %arg10: memref<2000xi32, #tpu.memory_space<vmem>>, %arg11: memref<2000xi32, #tpu.memory_space<vmem>>, %arg12: memref<!tpu.dma_semaphore, #tpu.memory_space<semaphore_mem>>, %arg13: memref<!tpu.dma_semaphore, #tpu.memory_space<semaphore_mem>>) attributes {dimension_semantics = [#tpu.dimension_semantics<core_parallel>, #tpu.dimension_semantics<subcore_parallel>], iteration_bounds = array<i64: 2, 16>, scalar_prefetch = 0 : i64, scratch_operands = 7 : i64, tpu.core_type = #tpu.core_type<sc_vector_subcore>, window_params = [{transform_indices = #map}, {transform_indices = #map}, {transform_indices = #map}, {transform_indices = #map1}, {transform_indices = #map1}]} {
    %mul3A = arith.constant 2 : i32
    %mul3A_0 = arith.muli %arg1, %mul3A : i32
    %add3A = arith.addi %mul3A_0, %arg0 : i32
    %jit3A = arith.constant 2 : i32
    %div3A = arith.divsi %add3A, %jit3A : i32
    %sign3A = arith.constant 0 : i32
    %sign3A_1 = arith.cmpi sgt, %add3A, %sign3A : i32
    %sign3A_2 = arith.extui %sign3A_1 : i1 to i32
    %sign3A_3 = arith.constant 0 : i32
    %sign3A_4 = arith.cmpi slt, %add3A, %sign3A_3 : i32
    %sign3A_5 = arith.extui %sign3A_4 : i1 to i32
    %sign3A_6 = arith.subi %sign3A_2, %sign3A_5 : i32
    %sign3A_7 = arith.constant 0 : i32
    %sign3A_8 = arith.cmpi sgt, %jit3A, %sign3A_7 : i32
    %sign3A_9 = arith.extui %sign3A_8 : i1 to i32
    %sign3A_10 = arith.constant 0 : i32
    %sign3A_11 = arith.cmpi slt, %jit3A, %sign3A_10 : i32
    %sign3A_12 = arith.extui %sign3A_11 : i1 to i32
    %sign3A_13 = arith.subi %sign3A_9, %sign3A_12 : i32
    %ne3A = arith.cmpi ne, %sign3A_6, %sign3A_13 : i32
    %rem3A = arith.remsi %add3A, %jit3A : i32
    %ne3A_14 = arith.constant 0 : i32
    %ne3A_15 = arith.cmpi ne, %rem3A, %ne3A_14 : i32
    %and3A = arith.andi %ne3A, %ne3A_15 : i1
    %sub3A = arith.constant 1 : i32
    %sub3A_16 = arith.subi %div3A, %sub3A : i32
    %select_n3A = arith.select %and3A, %sub3A_16, %div3A : i32
    %jit3A_17 = arith.constant 2 : i32
    %eq3A = arith.constant 0 : i32
    %eq3A_18 = arith.cmpi eq, %jit3A_17, %eq3A : i32
    %jit3A_19 = arith.constant 1 : i32
    %select_n3A_20 = arith.select %eq3A_18, %jit3A_19, %jit3A_17 : i32
    %rem3A_21 = arith.remsi %add3A, %select_n3A_20 : i32
    %ne3A_22 = arith.constant 0 : i32
    %ne3A_23 = arith.cmpi ne, %rem3A_21, %ne3A_22 : i32
    %lt3A = arith.constant 0 : i32
    %lt3A_24 = arith.cmpi slt, %rem3A_21, %lt3A : i32
    %lt3A_25 = arith.constant 0 : i32
    %lt3A_26 = arith.cmpi slt, %select_n3A_20, %lt3A_25 : i32
    %ne3A_27 = arith.xori %lt3A_24, %lt3A_26 : i1
    %and3A_28 = arith.andi %ne3A_27, %ne3A_23 : i1
    %add3A_29 = arith.addi %rem3A_21, %select_n3A_20 : i32
    %select_n3A_30 = arith.select %and3A_28, %add3A_29, %rem3A_21 : i32
    %mul3A_31 = arith.constant 100000 : i32
    %mul3A_32 = arith.muli %select_n3A, %mul3A_31 : i32
    "tpu.region"() ({
      %run_scoped3A = tpu.sem_alloc : memref<!tpu.dma_semaphore, #tpu.memory_space<semaphore_mem>>
      tpu.enqueue_dma source(%arg4 : memref<100000xf32, #tpu.memory_space<hbm>>) target(%arg7 : memref<100000xf32, #tpu.memory_space<vmem>>) target_semaphore(%run_scoped3A : memref<!tpu.dma_semaphore, #tpu.memory_space<semaphore_mem>>)
      tpu.wait_dma2 semaphore(%run_scoped3A : memref<!tpu.dma_semaphore, #tpu.memory_space<semaphore_mem>>) src(%arg4 : memref<100000xf32, #tpu.memory_space<hbm>>) dst(%arg7 : memref<100000xf32, #tpu.memory_space<vmem>>)
      tpu.yield
    }) : () -> ()
    %broadcast_in_dim3A = arith.constant 1.000000e+00 : f32
    %broadcast_in_dim3A_33 = vector.broadcast %broadcast_in_dim3A : f32 to vector<16xf32>
    %eq3A_34 = arith.constant 0 : i32
    %eq3A_35 = arith.cmpi eq, %select_n3A_30, %eq3A_34 : i32
    %convert_element_type3A = arith.extui %eq3A_35 : i1 to i32
    %cond3A = arith.constant 0 : i32
    %cond3A_36 = arith.cmpi ne, %convert_element_type3A, %cond3A : i32
    scf.if %cond3A_36 {
      %dma_start3A_50 = tpu.memref_slice %arg2[%mul3A_32] : memref<1638400xf32, #tpu.memory_space<hbm>> -> memref<2000xf32, #tpu.memory_space<hbm>>
      %dma_start3A_51 = tpu.memref_slice %arg2[%mul3A_32] : memref<1638400xf32, #tpu.memory_space<hbm>> -> memref<2000xf32, #tpu.memory_space<hbm>>
      tpu.enqueue_dma source(%dma_start3A_51 : memref<2000xf32, #tpu.memory_space<hbm>>) target(%arg8 : memref<2000xf32, #tpu.memory_space<vmem>>) target_semaphore(%arg12 : memref<!tpu.dma_semaphore, #tpu.memory_space<semaphore_mem>>)
    } else {
    }
    %dma_start3A = tpu.memref_slice %arg3[%mul3A_32] : memref<1600000xi32, #tpu.memory_space<hbm>> -> memref<2000xi32, #tpu.memory_space<hbm>>
    %dma_start3A_37 = tpu.memref_slice %arg3[%mul3A_32] : memref<1600000xi32, #tpu.memory_space<hbm>> -> memref<2000xi32, #tpu.memory_space<hbm>>
    tpu.enqueue_dma source(%dma_start3A_37 : memref<2000xi32, #tpu.memory_space<hbm>>) target(%arg10 : memref<2000xi32, #tpu.memory_space<vmem>>) target_semaphore(%arg12 : memref<!tpu.dma_semaphore, #tpu.memory_space<semaphore_mem>>)
    %scan3A = arith.constant 0 : i32
    %scan3A_38 = arith.constant 0 : i32
    %scan3A_39 = arith.constant 25 : i32
    %scan3A_40 = arith.addi %scan3A_38, %scan3A_39 : i32
    %scan3A_41 = arith.constant 1 : i32
    scf.for %scan3A_50 = %scan3A_38 to %scan3A_40 step %scan3A_41  : i32 {
      %mul3A_51 = arith.constant 2 : i32
      %mul3A_52 = arith.muli %mul3A_51, %scan3A_50 : i32
      %mul3A_53 = arith.constant 2000 : i32
      %mul3A_54 = arith.muli %mul3A_52, %mul3A_53 : i32
      %add3A_55 = arith.addi %mul3A_32, %mul3A_54 : i32
      %add3A_56 = arith.constant 2000 : i32
      %add3A_57 = arith.addi %add3A_55, %add3A_56 : i32
      %convert_element_type3A_58 = arith.extui %eq3A_35 : i1 to i32
      %cond3A_59 = arith.constant 0 : i32
      %cond3A_60 = arith.cmpi ne, %convert_element_type3A_58, %cond3A_59 : i32
      scf.if %cond3A_60 {
        %dma_start3A_97 = tpu.memref_slice %arg2[%add3A_57] : memref<1638400xf32, #tpu.memory_space<hbm>> -> memref<2000xf32, #tpu.memory_space<hbm>>
        %dma_start3A_98 = tpu.memref_slice %arg2[%add3A_57] : memref<1638400xf32, #tpu.memory_space<hbm>> -> memref<2000xf32, #tpu.memory_space<hbm>>
        tpu.enqueue_dma source(%dma_start3A_98 : memref<2000xf32, #tpu.memory_space<hbm>>) target(%arg9 : memref<2000xf32, #tpu.memory_space<vmem>>) target_semaphore(%arg13 : memref<!tpu.dma_semaphore, #tpu.memory_space<semaphore_mem>>)
      } else {
      }
      %dma_start3A_61 = tpu.memref_slice %arg3[%add3A_57] : memref<1600000xi32, #tpu.memory_space<hbm>> -> memref<2000xi32, #tpu.memory_space<hbm>>
      %dma_start3A_62 = tpu.memref_slice %arg3[%add3A_57] : memref<1600000xi32, #tpu.memory_space<hbm>> -> memref<2000xi32, #tpu.memory_space<hbm>>
      tpu.enqueue_dma source(%dma_start3A_62 : memref<2000xi32, #tpu.memory_space<hbm>>) target(%arg11 : memref<2000xi32, #tpu.memory_space<vmem>>) target_semaphore(%arg13 : memref<!tpu.dma_semaphore, #tpu.memory_space<semaphore_mem>>)
      %convert_element_type3A_63 = arith.extui %eq3A_35 : i1 to i32
      %cond3A_64 = arith.constant 0 : i32
      %cond3A_65 = arith.cmpi ne, %convert_element_type3A_63, %cond3A_64 : i32
      scf.if %cond3A_65 {
        %dma_wait3A_97 = arith.constant 0 : i32
        %dma_wait3A_98 = tpu.memref_slice %arg2[%dma_wait3A_97] : memref<1638400xf32, #tpu.memory_space<hbm>> -> memref<2000xf32, #tpu.memory_space<hbm>>
        %dma_wait3A_99 = arith.constant 0 : i32
        %dma_wait3A_100 = tpu.memref_slice %arg2[%dma_wait3A_99] : memref<1638400xf32, #tpu.memory_space<hbm>> -> memref<2000xf32, #tpu.memory_space<hbm>>
        tpu.wait_dma2 semaphore(%arg12 : memref<!tpu.dma_semaphore, #tpu.memory_space<semaphore_mem>>) src(%dma_wait3A_100 : memref<2000xf32, #tpu.memory_space<hbm>>) dst(%arg8 : memref<2000xf32, #tpu.memory_space<vmem>>)
      } else {
      }
      %dma_wait3A = arith.constant 0 : i32
      %dma_wait3A_66 = tpu.memref_slice %arg3[%dma_wait3A] : memref<1600000xi32, #tpu.memory_space<hbm>> -> memref<2000xi32, #tpu.memory_space<hbm>>
      %dma_wait3A_67 = arith.constant 0 : i32
      %dma_wait3A_68 = tpu.memref_slice %arg3[%dma_wait3A_67] : memref<1600000xi32, #tpu.memory_space<hbm>> -> memref<2000xi32, #tpu.memory_space<hbm>>
      tpu.wait_dma2 semaphore(%arg12 : memref<!tpu.dma_semaphore, #tpu.memory_space<semaphore_mem>>) src(%dma_wait3A_68 : memref<2000xi32, #tpu.memory_space<hbm>>) dst(%arg10 : memref<2000xi32, #tpu.memory_space<vmem>>)
      %convert_element_type3A_69 = arith.extui %eq3A_35 : i1 to i32
      %cond3A_70 = arith.constant 0 : i32
      %cond3A_71 = arith.cmpi ne, %convert_element_type3A_69, %cond3A_70 : i32
      scf.if %cond3A_71 {
        %parallel_loop3A = arith.constant 0 : i32
        %parallel_loop3A_97 = arith.constant 125 : i32
        %parallel_loop3A_98 = arith.constant 1 : i32
        scf.for %parallel_loop3A_99 = %parallel_loop3A to %parallel_loop3A_97 step %parallel_loop3A_98  : i32 {
          %parallel_loop3A_100 = arith.constant 16 : i32
          %parallel_loop3A_101 = arith.muli %parallel_loop3A_99, %parallel_loop3A_100 : i32
          %parallel_loop3A_102 = arith.index_cast %parallel_loop3A_101 : i32 to index
          %parallel_loop3A_103 = tpu.vector_load %arg10[%parallel_loop3A_102] {strides = array<i32>} : memref<2000xi32, #tpu.memory_space<vmem>>, vector<16xi32>,
          %parallel_loop3A_104 = arith.constant 16 : i32
          %parallel_loop3A_105 = arith.muli %parallel_loop3A_99, %parallel_loop3A_104 : i32
          %parallel_loop3A_106 = arith.index_cast %parallel_loop3A_105 : i32 to index
          %parallel_loop3A_107 = tpu.vector_load %arg8[%parallel_loop3A_106] {strides = array<i32>} : memref<2000xf32, #tpu.memory_space<vmem>>, vector<16xf32>,
          tpu.vector_store_idx %arg7[%parallel_loop3A_103], %parallel_loop3A_107 {add = true} : memref<100000xf32, #tpu.memory_space<vmem>>[vector<16xi32>], vector<16xf32>,
        } {sc.loop_unroll_factor = 8 : i64, sc.parallel_access}
      } else {
      }
      %not3A_72 = arith.constant true
      %not3A_73 = arith.xori %eq3A_35, %not3A_72 : i1
      %convert_element_type3A_74 = arith.extui %not3A_73 : i1 to i32
      %cond3A_75 = arith.constant 0 : i32
      %cond3A_76 = arith.cmpi ne, %convert_element_type3A_74, %cond3A_75 : i32
      scf.if %cond3A_76 {
        %parallel_loop3A = arith.constant 0 : i32
        %parallel_loop3A_97 = arith.constant 125 : i32
        %parallel_loop3A_98 = arith.constant 1 : i32
        scf.for %parallel_loop3A_99 = %parallel_loop3A to %parallel_loop3A_97 step %parallel_loop3A_98  : i32 {
          %parallel_loop3A_100 = arith.constant 16 : i32
          %parallel_loop3A_101 = arith.muli %parallel_loop3A_99, %parallel_loop3A_100 : i32
          %parallel_loop3A_102 = arith.index_cast %parallel_loop3A_101 : i32 to index
          %parallel_loop3A_103 = tpu.vector_load %arg10[%parallel_loop3A_102] {strides = array<i32>} : memref<2000xi32, #tpu.memory_space<vmem>>, vector<16xi32>,
          tpu.vector_store_idx %arg7[%parallel_loop3A_103], %broadcast_in_dim3A_33 {add = true} : memref<100000xf32, #tpu.memory_space<vmem>>[vector<16xi32>], vector<16xf32>,
        } {sc.loop_unroll_factor = 8 : i64, sc.parallel_access}
      } else {
      }
      %lt3A_77 = arith.constant 24 : i32
      %lt3A_78 = arith.cmpi slt, %scan3A_50, %lt3A_77 : i32
      %convert_element_type3A_79 = arith.extui %lt3A_78 : i1 to i32
      %cond3A_80 = arith.constant 0 : i32
      %cond3A_81 = arith.cmpi ne, %convert_element_type3A_79, %cond3A_80 : i32
      scf.if %cond3A_81 {
        %add3A_97 = arith.constant 4000 : i32
        %add3A_98 = arith.addi %add3A_55, %add3A_97 : i32
        %convert_element_type3A_99 = arith.extui %eq3A_35 : i1 to i32
        %cond3A_100 = arith.constant 0 : i32
        %cond3A_101 = arith.cmpi ne, %convert_element_type3A_99, %cond3A_100 : i32
        scf.if %cond3A_101 {
          %dma_start3A_104 = tpu.memref_slice %arg2[%add3A_98] : memref<1638400xf32, #tpu.memory_space<hbm>> -> memref<2000xf32, #tpu.memory_space<hbm>>
          %dma_start3A_105 = tpu.memref_slice %arg2[%add3A_98] : memref<1638400xf32, #tpu.memory_space<hbm>> -> memref<2000xf32, #tpu.memory_space<hbm>>
          tpu.enqueue_dma source(%dma_start3A_105 : memref<2000xf32, #tpu.memory_space<hbm>>) target(%arg8 : memref<2000xf32, #tpu.memory_space<vmem>>) target_semaphore(%arg12 : memref<!tpu.dma_semaphore, #tpu.memory_space<semaphore_mem>>)
        } else {
        }
        %dma_start3A_102 = tpu.memref_slice %arg3[%add3A_98] : memref<1600000xi32, #tpu.memory_space<hbm>> -> memref<2000xi32, #tpu.memory_space<hbm>>
        %dma_start3A_103 = tpu.memref_slice %arg3[%add3A_98] : memref<1600000xi32, #tpu.memory_space<hbm>> -> memref<2000xi32, #tpu.memory_space<hbm>>
        tpu.enqueue_dma source(%dma_start3A_103 : memref<2000xi32, #tpu.memory_space<hbm>>) target(%arg10 : memref<2000xi32, #tpu.memory_space<vmem>>) target_semaphore(%arg12 : memref<!tpu.dma_semaphore, #tpu.memory_space<semaphore_mem>>)
      } else {
      }
      %convert_element_type3A_82 = arith.extui %eq3A_35 : i1 to i32
      %cond3A_83 = arith.constant 0 : i32
      %cond3A_84 = arith.cmpi ne, %convert_element_type3A_82, %cond3A_83 : i32
      scf.if %cond3A_84 {
        %dma_wait3A_97 = arith.constant 0 : i32
        %dma_wait3A_98 = tpu.memref_slice %arg2[%dma_wait3A_97] : memref<1638400xf32, #tpu.memory_space<hbm>> -> memref<2000xf32, #tpu.memory_space<hbm>>
        %dma_wait3A_99 = arith.constant 0 : i32
        %dma_wait3A_100 = tpu.memref_slice %arg2[%dma_wait3A_99] : memref<1638400xf32, #tpu.memory_space<hbm>> -> memref<2000xf32, #tpu.memory_space<hbm>>
        tpu.wait_dma2 semaphore(%arg13 : memref<!tpu.dma_semaphore, #tpu.memory_space<semaphore_mem>>) src(%dma_wait3A_100 : memref<2000xf32, #tpu.memory_space<hbm>>) dst(%arg9 : memref<2000xf32, #tpu.memory_space<vmem>>)
      } else {
      }
      %dma_wait3A_85 = arith.constant 0 : i32
      %dma_wait3A_86 = tpu.memref_slice %arg3[%dma_wait3A_85] : memref<1600000xi32, #tpu.memory_space<hbm>> -> memref<2000xi32, #tpu.memory_space<hbm>>
      %dma_wait3A_87 = arith.constant 0 : i32
      %dma_wait3A_88 = tpu.memref_slice %arg3[%dma_wait3A_87] : memref<1600000xi32, #tpu.memory_space<hbm>> -> memref<2000xi32, #tpu.memory_space<hbm>>
      tpu.wait_dma2 semaphore(%arg13 : memref<!tpu.dma_semaphore, #tpu.memory_space<semaphore_mem>>) src(%dma_wait3A_88 : memref<2000xi32, #tpu.memory_space<hbm>>) dst(%arg11 : memref<2000xi32, #tpu.memory_space<vmem>>)
      %convert_element_type3A_89 = arith.extui %eq3A_35 : i1 to i32
      %cond3A_90 = arith.constant 0 : i32
      %cond3A_91 = arith.cmpi ne, %convert_element_type3A_89, %cond3A_90 : i32
      scf.if %cond3A_91 {
        %parallel_loop3A = arith.constant 0 : i32
        %parallel_loop3A_97 = arith.constant 125 : i32
        %parallel_loop3A_98 = arith.constant 1 : i32
        scf.for %parallel_loop3A_99 = %parallel_loop3A to %parallel_loop3A_97 step %parallel_loop3A_98  : i32 {
          %parallel_loop3A_100 = arith.constant 16 : i32
          %parallel_loop3A_101 = arith.muli %parallel_loop3A_99, %parallel_loop3A_100 : i32
          %parallel_loop3A_102 = arith.index_cast %parallel_loop3A_101 : i32 to index
          %parallel_loop3A_103 = tpu.vector_load %arg11[%parallel_loop3A_102] {strides = array<i32>} : memref<2000xi32, #tpu.memory_space<vmem>>, vector<16xi32>,
          %parallel_loop3A_104 = arith.constant 16 : i32
          %parallel_loop3A_105 = arith.muli %parallel_loop3A_99, %parallel_loop3A_104 : i32
          %parallel_loop3A_106 = arith.index_cast %parallel_loop3A_105 : i32 to index
          %parallel_loop3A_107 = tpu.vector_load %arg9[%parallel_loop3A_106] {strides = array<i32>} : memref<2000xf32, #tpu.memory_space<vmem>>, vector<16xf32>,
          tpu.vector_store_idx %arg7[%parallel_loop3A_103], %parallel_loop3A_107 {add = true} : memref<100000xf32, #tpu.memory_space<vmem>>[vector<16xi32>], vector<16xf32>,
        } {sc.loop_unroll_factor = 8 : i64, sc.parallel_access}
      } else {
      }
      %not3A_92 = arith.constant true
      %not3A_93 = arith.xori %eq3A_35, %not3A_92 : i1
      %convert_element_type3A_94 = arith.extui %not3A_93 : i1 to i32
      %cond3A_95 = arith.constant 0 : i32
      %cond3A_96 = arith.cmpi ne, %convert_element_type3A_94, %cond3A_95 : i32
      scf.if %cond3A_96 {
        %parallel_loop3A = arith.constant 0 : i32
        %parallel_loop3A_97 = arith.constant 125 : i32
        %parallel_loop3A_98 = arith.constant 1 : i32
        scf.for %parallel_loop3A_99 = %parallel_loop3A to %parallel_loop3A_97 step %parallel_loop3A_98  : i32 {
          %parallel_loop3A_100 = arith.constant 16 : i32
          %parallel_loop3A_101 = arith.muli %parallel_loop3A_99, %parallel_loop3A_100 : i32
          %parallel_loop3A_102 = arith.index_cast %parallel_loop3A_101 : i32 to index
          %parallel_loop3A_103 = tpu.vector_load %arg11[%parallel_loop3A_102] {strides = array<i32>} : memref<2000xi32, #tpu.memory_space<vmem>>, vector<16xi32>,
          tpu.vector_store_idx %arg7[%parallel_loop3A_103], %broadcast_in_dim3A_33 {add = true} : memref<100000xf32, #tpu.memory_space<vmem>>[vector<16xi32>], vector<16xf32>,
        } {sc.loop_unroll_factor = 8 : i64, sc.parallel_access}
      } else {
      }
    }
    %scan3A_42 = arith.constant 25 : i32
    %convert_element_type3A_43 = arith.extui %eq3A_35 : i1 to i32
    %cond3A_44 = arith.constant 0 : i32
    %cond3A_45 = arith.cmpi ne, %convert_element_type3A_43, %cond3A_44 : i32
    scf.if %cond3A_45 {
      "tpu.region"() ({
        %run_scoped3A = tpu.sem_alloc : memref<!tpu.dma_semaphore, #tpu.memory_space<semaphore_mem>>
        %dma_start3A_50 = arith.constant 0 : i32
        %dma_start3A_51 = tpu.memref_slice %arg5[%select_n3A, %dma_start3A_50] : memref<16x100000xf32, #tpu.memory_space<hbm>> -> memref<1x100000xf32, #tpu.memory_space<hbm>>
        %dma_start3A_52 = tpu.memref_squeeze %dma_start3A_51 : memref<1x100000xf32, #tpu.memory_space<hbm>> -> memref<100000xf32, #tpu.memory_space<hbm>>
        %dma_start3A_53 = arith.constant 0 : i32
        %dma_start3A_54 = tpu.memref_slice %arg5[%select_n3A, %dma_start3A_53] : memref<16x100000xf32, #tpu.memory_space<hbm>> -> memref<1x100000xf32, #tpu.memory_space<hbm>>
        %dma_start3A_55 = tpu.memref_squeeze %dma_start3A_54 : memref<1x100000xf32, #tpu.memory_space<hbm>> -> memref<100000xf32, #tpu.memory_space<hbm>>
        tpu.enqueue_dma source(%arg7 : memref<100000xf32, #tpu.memory_space<vmem>>) target(%dma_start3A_55 : memref<100000xf32, #tpu.memory_space<hbm>>) target_semaphore(%run_scoped3A : memref<!tpu.dma_semaphore, #tpu.memory_space<semaphore_mem>>)
        %dma_wait3A = arith.constant 0 : i32
        %dma_wait3A_56 = tpu.memref_slice %arg5[%select_n3A, %dma_wait3A] : memref<16x100000xf32, #tpu.memory_space<hbm>> -> memref<1x100000xf32, #tpu.memory_space<hbm>>
        %dma_wait3A_57 = tpu.memref_squeeze %dma_wait3A_56 : memref<1x100000xf32, #tpu.memory_space<hbm>> -> memref<100000xf32, #tpu.memory_space<hbm>>
        %dma_wait3A_58 = arith.constant 0 : i32
        %dma_wait3A_59 = tpu.memref_slice %arg5[%select_n3A, %dma_wait3A_58] : memref<16x100000xf32, #tpu.memory_space<hbm>> -> memref<1x100000xf32, #tpu.memory_space<hbm>>
        %dma_wait3A_60 = tpu.memref_squeeze %dma_wait3A_59 : memref<1x100000xf32, #tpu.memory_space<hbm>> -> memref<100000xf32, #tpu.memory_space<hbm>>
        tpu.wait_dma2 semaphore(%run_scoped3A : memref<!tpu.dma_semaphore, #tpu.memory_space<semaphore_mem>>) src(%arg7 : memref<100000xf32, #tpu.memory_space<vmem>>) dst(%dma_wait3A_60 : memref<100000xf32, #tpu.memory_space<hbm>>)
        tpu.yield
      }) : () -> ()
    } else {
    }
    %not3A = arith.constant true
    %not3A_46 = arith.xori %eq3A_35, %not3A : i1
    %convert_element_type3A_47 = arith.extui %not3A_46 : i1 to i32
    %cond3A_48 = arith.constant 0 : i32
    %cond3A_49 = arith.cmpi ne, %convert_element_type3A_47, %cond3A_48 : i32
    scf.if %cond3A_49 {
      "tpu.region"() ({
        %run_scoped3A = tpu.sem_alloc : memref<!tpu.dma_semaphore, #tpu.memory_space<semaphore_mem>>
        %dma_start3A_50 = arith.constant 0 : i32
        %dma_start3A_51 = tpu.memref_slice %arg6[%select_n3A, %dma_start3A_50] : memref<16x100000xf32, #tpu.memory_space<hbm>> -> memref<1x100000xf32, #tpu.memory_space<hbm>>
        %dma_start3A_52 = tpu.memref_squeeze %dma_start3A_51 : memref<1x100000xf32, #tpu.memory_space<hbm>> -> memref<100000xf32, #tpu.memory_space<hbm>>
        %dma_start3A_53 = arith.constant 0 : i32
        %dma_start3A_54 = tpu.memref_slice %arg6[%select_n3A, %dma_start3A_53] : memref<16x100000xf32, #tpu.memory_space<hbm>> -> memref<1x100000xf32, #tpu.memory_space<hbm>>
        %dma_start3A_55 = tpu.memref_squeeze %dma_start3A_54 : memref<1x100000xf32, #tpu.memory_space<hbm>> -> memref<100000xf32, #tpu.memory_space<hbm>>
        tpu.enqueue_dma source(%arg7 : memref<100000xf32, #tpu.memory_space<vmem>>) target(%dma_start3A_55 : memref<100000xf32, #tpu.memory_space<hbm>>) target_semaphore(%run_scoped3A : memref<!tpu.dma_semaphore, #tpu.memory_space<semaphore_mem>>)
        %dma_wait3A = arith.constant 0 : i32
        %dma_wait3A_56 = tpu.memref_slice %arg6[%select_n3A, %dma_wait3A] : memref<16x100000xf32, #tpu.memory_space<hbm>> -> memref<1x100000xf32, #tpu.memory_space<hbm>>
        %dma_wait3A_57 = tpu.memref_squeeze %dma_wait3A_56 : memref<1x100000xf32, #tpu.memory_space<hbm>> -> memref<100000xf32, #tpu.memory_space<hbm>>
        %dma_wait3A_58 = arith.constant 0 : i32
        %dma_wait3A_59 = tpu.memref_slice %arg6[%select_n3A, %dma_wait3A_58] : memref<16x100000xf32, #tpu.memory_space<hbm>> -> memref<1x100000xf32, #tpu.memory_space<hbm>>
        %dma_wait3A_60 = tpu.memref_squeeze %dma_wait3A_59 : memref<1x100000xf32, #tpu.memory_space<hbm>> -> memref<100000xf32, #tpu.memory_space<hbm>>
        tpu.wait_dma2 semaphore(%run_scoped3A : memref<!tpu.dma_semaphore, #tpu.memory_space<semaphore_mem>>) src(%arg7 : memref<100000xf32, #tpu.memory_space<vmem>>) dst(%dma_wait3A_60 : memref<100000xf32, #tpu.memory_space<hbm>>)
        tpu.yield
      }) : () -> ()
    } else {
    }
    return
  }
}

#map = affine_map<(d0, d1) -> (0)>
#map1 = affine_map<(d0, d1) -> (0, 0)>
#map2 = affine_map<(d0, d1) -> (0, 0, 0)>
module attributes {stable_mosaic.version = 14 : i64} {
  func.func @_sc_atom_scatter_body(%arg0: i32, %arg1: i32, %arg2: memref<100000xi32, #tpu.memory_space<hbm>>, %arg3: memref<102400xf32, #tpu.memory_space<hbm>>, %arg4: memref<102400xf32, #tpu.memory_space<hbm>>, %arg5: memref<102400xf32, #tpu.memory_space<hbm>>, %arg6: memref<100000xf32, #tpu.memory_space<hbm>>, %arg7: memref<5x4096xf32, #tpu.memory_space<hbm>>, %arg8: memref<25x5x4096xf32, #tpu.memory_space<hbm>>, %arg9: memref<5x4096xf32, #tpu.memory_space<vmem>>, %arg10: memref<4000xi32, #tpu.memory_space<vmem>>, %arg11: memref<4000xf32, #tpu.memory_space<vmem>>, %arg12: memref<4000xf32, #tpu.memory_space<vmem>>, %arg13: memref<4000xf32, #tpu.memory_space<vmem>>, %arg14: memref<4000xf32, #tpu.memory_space<vmem>>, %arg15: memref<!tpu.dma_semaphore, #tpu.memory_space<semaphore_mem>>) attributes {dimension_semantics = [#tpu.dimension_semantics<core_parallel>, #tpu.dimension_semantics<subcore_parallel>], iteration_bounds = array<i64: 2, 16>, scalar_prefetch = 0 : i64, scratch_operands = 7 : i64, tpu.core_type = #tpu.core_type<sc_vector_subcore>, window_params = [{transform_indices = #map}, {transform_indices = #map}, {transform_indices = #map}, {transform_indices = #map}, {transform_indices = #map}, {transform_indices = #map1}, {transform_indices = #map2}]} {
    %mul3A = arith.constant 2 : i32
    %mul3A_0 = arith.muli %arg1, %mul3A : i32
    %add3A = arith.addi %mul3A_0, %arg0 : i32
    %lt3A = arith.constant 25 : i32
    %lt3A_1 = arith.cmpi slt, %add3A, %lt3A : i32
    %convert_element_type3A = arith.extui %lt3A_1 : i1 to i32
    %cond3A = arith.constant 0 : i32
    %cond3A_2 = arith.cmpi ne, %convert_element_type3A, %cond3A : i32
    scf.if %cond3A_2 {
      %mul3A_3 = arith.constant 4000 : i32
      %mul3A_4 = arith.muli %add3A, %mul3A_3 : i32
      "tpu.region"() ({
        %run_scoped3A = tpu.sem_alloc : memref<!tpu.dma_semaphore, #tpu.memory_space<semaphore_mem>>
        tpu.enqueue_dma source(%arg7 : memref<5x4096xf32, #tpu.memory_space<hbm>>) target(%arg9 : memref<5x4096xf32, #tpu.memory_space<vmem>>) target_semaphore(%run_scoped3A : memref<!tpu.dma_semaphore, #tpu.memory_space<semaphore_mem>>)
        tpu.wait_dma2 semaphore(%run_scoped3A : memref<!tpu.dma_semaphore, #tpu.memory_space<semaphore_mem>>) src(%arg7 : memref<5x4096xf32, #tpu.memory_space<hbm>>) dst(%arg9 : memref<5x4096xf32, #tpu.memory_space<vmem>>)
        tpu.yield
      }) : () -> ()
      %dma_start3A = tpu.memref_slice %arg2[%mul3A_4] : memref<100000xi32, #tpu.memory_space<hbm>> -> memref<4000xi32, #tpu.memory_space<hbm>>
      %dma_start3A_5 = tpu.memref_slice %arg2[%mul3A_4] : memref<100000xi32, #tpu.memory_space<hbm>> -> memref<4000xi32, #tpu.memory_space<hbm>>
      tpu.enqueue_dma source(%dma_start3A_5 : memref<4000xi32, #tpu.memory_space<hbm>>) target(%arg10 : memref<4000xi32, #tpu.memory_space<vmem>>) target_semaphore(%arg15 : memref<!tpu.dma_semaphore, #tpu.memory_space<semaphore_mem>>)
      %dma_start3A_6 = tpu.memref_slice %arg3[%mul3A_4] : memref<102400xf32, #tpu.memory_space<hbm>> -> memref<4000xf32, #tpu.memory_space<hbm>>
      %dma_start3A_7 = tpu.memref_slice %arg3[%mul3A_4] : memref<102400xf32, #tpu.memory_space<hbm>> -> memref<4000xf32, #tpu.memory_space<hbm>>
      tpu.enqueue_dma source(%dma_start3A_7 : memref<4000xf32, #tpu.memory_space<hbm>>) target(%arg11 : memref<4000xf32, #tpu.memory_space<vmem>>) target_semaphore(%arg15 : memref<!tpu.dma_semaphore, #tpu.memory_space<semaphore_mem>>)
      %dma_start3A_8 = tpu.memref_slice %arg4[%mul3A_4] : memref<102400xf32, #tpu.memory_space<hbm>> -> memref<4000xf32, #tpu.memory_space<hbm>>
      %dma_start3A_9 = tpu.memref_slice %arg4[%mul3A_4] : memref<102400xf32, #tpu.memory_space<hbm>> -> memref<4000xf32, #tpu.memory_space<hbm>>
      tpu.enqueue_dma source(%dma_start3A_9 : memref<4000xf32, #tpu.memory_space<hbm>>) target(%arg12 : memref<4000xf32, #tpu.memory_space<vmem>>) target_semaphore(%arg15 : memref<!tpu.dma_semaphore, #tpu.memory_space<semaphore_mem>>)
      %dma_start3A_10 = tpu.memref_slice %arg5[%mul3A_4] : memref<102400xf32, #tpu.memory_space<hbm>> -> memref<4000xf32, #tpu.memory_space<hbm>>
      %dma_start3A_11 = tpu.memref_slice %arg5[%mul3A_4] : memref<102400xf32, #tpu.memory_space<hbm>> -> memref<4000xf32, #tpu.memory_space<hbm>>
      tpu.enqueue_dma source(%dma_start3A_11 : memref<4000xf32, #tpu.memory_space<hbm>>) target(%arg13 : memref<4000xf32, #tpu.memory_space<vmem>>) target_semaphore(%arg15 : memref<!tpu.dma_semaphore, #tpu.memory_space<semaphore_mem>>)
      %dma_start3A_12 = tpu.memref_slice %arg6[%mul3A_4] : memref<100000xf32, #tpu.memory_space<hbm>> -> memref<4000xf32, #tpu.memory_space<hbm>>
      %dma_start3A_13 = tpu.memref_slice %arg6[%mul3A_4] : memref<100000xf32, #tpu.memory_space<hbm>> -> memref<4000xf32, #tpu.memory_space<hbm>>
      tpu.enqueue_dma source(%dma_start3A_13 : memref<4000xf32, #tpu.memory_space<hbm>>) target(%arg14 : memref<4000xf32, #tpu.memory_space<vmem>>) target_semaphore(%arg15 : memref<!tpu.dma_semaphore, #tpu.memory_space<semaphore_mem>>)
      %dma_wait3A = tpu.memref_slice %arg2[%mul3A_4] : memref<100000xi32, #tpu.memory_space<hbm>> -> memref<4000xi32, #tpu.memory_space<hbm>>
      %dma_wait3A_14 = tpu.memref_slice %arg2[%mul3A_4] : memref<100000xi32, #tpu.memory_space<hbm>> -> memref<4000xi32, #tpu.memory_space<hbm>>
      tpu.wait_dma2 semaphore(%arg15 : memref<!tpu.dma_semaphore, #tpu.memory_space<semaphore_mem>>) src(%dma_wait3A_14 : memref<4000xi32, #tpu.memory_space<hbm>>) dst(%arg10 : memref<4000xi32, #tpu.memory_space<vmem>>)
      %dma_wait3A_15 = tpu.memref_slice %arg3[%mul3A_4] : memref<102400xf32, #tpu.memory_space<hbm>> -> memref<4000xf32, #tpu.memory_space<hbm>>
      %dma_wait3A_16 = tpu.memref_slice %arg3[%mul3A_4] : memref<102400xf32, #tpu.memory_space<hbm>> -> memref<4000xf32, #tpu.memory_space<hbm>>
      tpu.wait_dma2 semaphore(%arg15 : memref<!tpu.dma_semaphore, #tpu.memory_space<semaphore_mem>>) src(%dma_wait3A_16 : memref<4000xf32, #tpu.memory_space<hbm>>) dst(%arg11 : memref<4000xf32, #tpu.memory_space<vmem>>)
      %dma_wait3A_17 = tpu.memref_slice %arg3[%mul3A_4] : memref<102400xf32, #tpu.memory_space<hbm>> -> memref<4000xf32, #tpu.memory_space<hbm>>
      %dma_wait3A_18 = tpu.memref_slice %arg3[%mul3A_4] : memref<102400xf32, #tpu.memory_space<hbm>> -> memref<4000xf32, #tpu.memory_space<hbm>>
      tpu.wait_dma2 semaphore(%arg15 : memref<!tpu.dma_semaphore, #tpu.memory_space<semaphore_mem>>) src(%dma_wait3A_18 : memref<4000xf32, #tpu.memory_space<hbm>>) dst(%arg12 : memref<4000xf32, #tpu.memory_space<vmem>>)
      %dma_wait3A_19 = tpu.memref_slice %arg3[%mul3A_4] : memref<102400xf32, #tpu.memory_space<hbm>> -> memref<4000xf32, #tpu.memory_space<hbm>>
      %dma_wait3A_20 = tpu.memref_slice %arg3[%mul3A_4] : memref<102400xf32, #tpu.memory_space<hbm>> -> memref<4000xf32, #tpu.memory_space<hbm>>
      tpu.wait_dma2 semaphore(%arg15 : memref<!tpu.dma_semaphore, #tpu.memory_space<semaphore_mem>>) src(%dma_wait3A_20 : memref<4000xf32, #tpu.memory_space<hbm>>) dst(%arg13 : memref<4000xf32, #tpu.memory_space<vmem>>)
      %dma_wait3A_21 = tpu.memref_slice %arg3[%mul3A_4] : memref<102400xf32, #tpu.memory_space<hbm>> -> memref<4000xf32, #tpu.memory_space<hbm>>
      %dma_wait3A_22 = tpu.memref_slice %arg3[%mul3A_4] : memref<102400xf32, #tpu.memory_space<hbm>> -> memref<4000xf32, #tpu.memory_space<hbm>>
      tpu.wait_dma2 semaphore(%arg15 : memref<!tpu.dma_semaphore, #tpu.memory_space<semaphore_mem>>) src(%dma_wait3A_22 : memref<4000xf32, #tpu.memory_space<hbm>>) dst(%arg14 : memref<4000xf32, #tpu.memory_space<vmem>>)
      %broadcast_in_dim3A = arith.constant 1.000000e+00 : f32
      %broadcast_in_dim3A_23 = vector.broadcast %broadcast_in_dim3A : f32 to vector<16xf32>
      %broadcast_in_dim3A_24 = arith.constant 0 : i32
      %broadcast_in_dim3A_25 = vector.broadcast %broadcast_in_dim3A_24 : i32 to vector<16xi32>
      %broadcast_in_dim3A_26 = arith.constant 1 : i32
      %broadcast_in_dim3A_27 = vector.broadcast %broadcast_in_dim3A_26 : i32 to vector<16xi32>
      %broadcast_in_dim3A_28 = arith.constant 2 : i32
      %broadcast_in_dim3A_29 = vector.broadcast %broadcast_in_dim3A_28 : i32 to vector<16xi32>
      %broadcast_in_dim3A_30 = arith.constant 3 : i32
      %broadcast_in_dim3A_31 = vector.broadcast %broadcast_in_dim3A_30 : i32 to vector<16xi32>
      %broadcast_in_dim3A_32 = arith.constant 4 : i32
      %broadcast_in_dim3A_33 = vector.broadcast %broadcast_in_dim3A_32 : i32 to vector<16xi32>
      %parallel_loop3A = arith.constant 0 : i32
      %parallel_loop3A_34 = arith.constant 250 : i32
      %parallel_loop3A_35 = arith.constant 1 : i32
      scf.for %parallel_loop3A_36 = %parallel_loop3A to %parallel_loop3A_34 step %parallel_loop3A_35  : i32 {
        %parallel_loop3A_37 = arith.constant 16 : i32
        %parallel_loop3A_38 = arith.muli %parallel_loop3A_36, %parallel_loop3A_37 : i32
        %parallel_loop3A_39 = arith.index_cast %parallel_loop3A_38 : i32 to index
        %parallel_loop3A_40 = tpu.vector_load %arg10[%parallel_loop3A_39] {strides = array<i32>} : memref<4000xi32, #tpu.memory_space<vmem>>, vector<16xi32>,
        %parallel_loop3A_41 = arith.index_cast %parallel_loop3A_38 : i32 to index
        %parallel_loop3A_42 = tpu.vector_load %arg11[%parallel_loop3A_41] {strides = array<i32>} : memref<4000xf32, #tpu.memory_space<vmem>>, vector<16xf32>,
        tpu.vector_store_idx %arg9[%broadcast_in_dim3A_25, %parallel_loop3A_40], %parallel_loop3A_42 {add = true} : memref<5x4096xf32, #tpu.memory_space<vmem>>[vector<16xi32>, vector<16xi32>], vector<16xf32>,
        %parallel_loop3A_43 = arith.index_cast %parallel_loop3A_38 : i32 to index
        %parallel_loop3A_44 = tpu.vector_load %arg12[%parallel_loop3A_43] {strides = array<i32>} : memref<4000xf32, #tpu.memory_space<vmem>>, vector<16xf32>,
        tpu.vector_store_idx %arg9[%broadcast_in_dim3A_27, %parallel_loop3A_40], %parallel_loop3A_44 {add = true} : memref<5x4096xf32, #tpu.memory_space<vmem>>[vector<16xi32>, vector<16xi32>], vector<16xf32>,
        %parallel_loop3A_45 = arith.index_cast %parallel_loop3A_38 : i32 to index
        %parallel_loop3A_46 = tpu.vector_load %arg13[%parallel_loop3A_45] {strides = array<i32>} : memref<4000xf32, #tpu.memory_space<vmem>>, vector<16xf32>,
        tpu.vector_store_idx %arg9[%broadcast_in_dim3A_29, %parallel_loop3A_40], %parallel_loop3A_46 {add = true} : memref<5x4096xf32, #tpu.memory_space<vmem>>[vector<16xi32>, vector<16xi32>], vector<16xf32>,
        %parallel_loop3A_47 = arith.index_cast %parallel_loop3A_38 : i32 to index
        %parallel_loop3A_48 = tpu.vector_load %arg14[%parallel_loop3A_47] {strides = array<i32>} : memref<4000xf32, #tpu.memory_space<vmem>>, vector<16xf32>,
        tpu.vector_store_idx %arg9[%broadcast_in_dim3A_31, %parallel_loop3A_40], %parallel_loop3A_48 {add = true} : memref<5x4096xf32, #tpu.memory_space<vmem>>[vector<16xi32>, vector<16xi32>], vector<16xf32>,
        tpu.vector_store_idx %arg9[%broadcast_in_dim3A_33, %parallel_loop3A_40], %broadcast_in_dim3A_23 {add = true} : memref<5x4096xf32, #tpu.memory_space<vmem>>[vector<16xi32>, vector<16xi32>], vector<16xf32>,
      } {sc.loop_unroll_factor = 4 : i64, sc.parallel_access}
      "tpu.region"() ({
        %run_scoped3A = tpu.sem_alloc : memref<!tpu.dma_semaphore, #tpu.memory_space<semaphore_mem>>
        %dma_start3A_36 = arith.constant 0 : i32
        %dma_start3A_37 = arith.constant 0 : i32
        %dma_start3A_38 = tpu.memref_slice %arg8[%add3A, %dma_start3A_36, %dma_start3A_37] : memref<25x5x4096xf32, #tpu.memory_space<hbm>> -> memref<1x5x4096xf32, #tpu.memory_space<hbm>>
        %dma_start3A_39 = tpu.memref_squeeze %dma_start3A_38 : memref<1x5x4096xf32, #tpu.memory_space<hbm>> -> memref<5x4096xf32, #tpu.memory_space<hbm>>
        %dma_start3A_40 = arith.constant 0 : i32
        %dma_start3A_41 = arith.constant 0 : i32
        %dma_start3A_42 = tpu.memref_slice %arg8[%add3A, %dma_start3A_40, %dma_start3A_41] : memref<25x5x4096xf32, #tpu.memory_space<hbm>> -> memref<1x5x4096xf32, #tpu.memory_space<hbm>>
        %dma_start3A_43 = tpu.memref_squeeze %dma_start3A_42 : memref<1x5x4096xf32, #tpu.memory_space<hbm>> -> memref<5x4096xf32, #tpu.memory_space<hbm>>
        tpu.enqueue_dma source(%arg9 : memref<5x4096xf32, #tpu.memory_space<vmem>>) target(%dma_start3A_43 : memref<5x4096xf32, #tpu.memory_space<hbm>>) target_semaphore(%run_scoped3A : memref<!tpu.dma_semaphore, #tpu.memory_space<semaphore_mem>>)
        %dma_wait3A_44 = arith.constant 0 : i32
        %dma_wait3A_45 = arith.constant 0 : i32
        %dma_wait3A_46 = tpu.memref_slice %arg8[%add3A, %dma_wait3A_44, %dma_wait3A_45] : memref<25x5x4096xf32, #tpu.memory_space<hbm>> -> memref<1x5x4096xf32, #tpu.memory_space<hbm>>
        %dma_wait3A_47 = tpu.memref_squeeze %dma_wait3A_46 : memref<1x5x4096xf32, #tpu.memory_space<hbm>> -> memref<5x4096xf32, #tpu.memory_space<hbm>>
        %dma_wait3A_48 = arith.constant 0 : i32
        %dma_wait3A_49 = arith.constant 0 : i32
        %dma_wait3A_50 = tpu.memref_slice %arg8[%add3A, %dma_wait3A_48, %dma_wait3A_49] : memref<25x5x4096xf32, #tpu.memory_space<hbm>> -> memref<1x5x4096xf32, #tpu.memory_space<hbm>>
        %dma_wait3A_51 = tpu.memref_squeeze %dma_wait3A_50 : memref<1x5x4096xf32, #tpu.memory_space<hbm>> -> memref<5x4096xf32, #tpu.memory_space<hbm>>
        tpu.wait_dma2 semaphore(%run_scoped3A : memref<!tpu.dma_semaphore, #tpu.memory_space<semaphore_mem>>) src(%arg9 : memref<5x4096xf32, #tpu.memory_space<vmem>>) dst(%dma_wait3A_51 : memref<5x4096xf32, #tpu.memory_space<hbm>>)
        tpu.yield
      }) : () -> ()
    } else {
    }
    return
  }
}

module attributes {stable_mosaic.version = 14 : i64} {
  func.func @_bond_ce_body(%arg0: i32, %arg1: memref<5x512x128xf32, #tpu.memory_space<vmem>>, %arg2: memref<512x128xi32, #tpu.memory_space<vmem>>, %arg3: memref<512x128xf32, #tpu.memory_space<vmem>>) attributes {dimension_semantics = [#tpu.dimension_semantics<arbitrary>], iteration_bounds = array<i64: 25>, scalar_prefetch = 0 : i64, scratch_operands = 0 : i64, tpu.core_type = #tpu.core_type<tc>, window_params = [{transform_indices = @transform_0, window_bounds = array<i64: 5, 512, 128>}, {transform_indices = @transform_1, window_bounds = array<i64: 512, 128>}, {transform_indices = @transform_2, window_bounds = array<i64: 512, 128>}]} {
    %get3A = arith.constant 0 : index
    %get3A_0 = arith.constant 0 : index
    %get3A_1 = arith.constant 0 : index
    %get3A_2 = vector.load %arg1[%get3A, %get3A_0, %get3A_1] : memref<5x512x128xf32, #tpu.memory_space<vmem>>, vector<5x512x128xf32>
    %get3A_3 = arith.constant 0 : index
    %get3A_4 = arith.constant 0 : index
    %get3A_5 = vector.load %arg2[%get3A_3, %get3A_4] : memref<512x128xi32, #tpu.memory_space<vmem>>, vector<512x128xi32>
    %reduce_max3A = arith.constant dense<0xFF800000> : vector<512x128xf32>
    %reduce_max3A_6 = vector.multi_reduction <maximumf>, %get3A_2, %reduce_max3A [0] : vector<5x512x128xf32> to vector<512x128xf32>
    %broadcast_in_dim3A = vector.shape_cast %reduce_max3A_6 : vector<512x128xf32> to vector<1x512x128xf32>
    %sub3A = vector.broadcast %broadcast_in_dim3A : vector<1x512x128xf32> to vector<5x512x128xf32>
    %sub3A_7 = arith.subf %get3A_2, %sub3A : vector<5x512x128xf32>
    %exp3A = math.exp %sub3A_7 : vector<5x512x128xf32>
    %reduce_sum3A = arith.constant dense<0.000000e+00> : vector<512x128xf32>
    %reduce_sum3A_8 = vector.multi_reduction <add>, %exp3A, %reduce_sum3A [0] : vector<5x512x128xf32> to vector<512x128xf32>
    %log3A = math.log %reduce_sum3A_8 : vector<512x128xf32>
    %add3A = arith.addf %reduce_max3A_6, %log3A : vector<512x128xf32>
    %iota3A = tpu.iota {dimensions = array<i32: 0>} : vector<5x512x128xi32>
    %broadcast_in_dim3A_9 = vector.shape_cast %get3A_5 : vector<512x128xi32> to vector<1x512x128xi32>
    %eq3A = vector.broadcast %broadcast_in_dim3A_9 : vector<1x512x128xi32> to vector<5x512x128xi32>
    %eq3A_10 = arith.cmpi eq, %iota3A, %eq3A : vector<5x512x128xi32>
    %jit3A = arith.constant 0.000000e+00 : f32
    %broadcast_in_dim3A_11 = vector.broadcast %jit3A : f32 to vector<5x512x128xf32>
    %select_n3A = arith.select %eq3A_10, %get3A_2, %broadcast_in_dim3A_11 : vector<5x512x128xi1>, vector<5x512x128xf32>
    %reduce_sum3A_12 = arith.constant dense<0.000000e+00> : vector<512x128xf32>
    %reduce_sum3A_13 = vector.multi_reduction <add>, %select_n3A, %reduce_sum3A_12 [0] : vector<5x512x128xf32> to vector<512x128xf32>
    %sub3A_14 = arith.subf %add3A, %reduce_sum3A_13 : vector<512x128xf32>
    %swap3A = arith.constant 0 : index
    %swap3A_15 = arith.constant 0 : index
    %swap3A_16 = vector.load %arg3[%swap3A, %swap3A_15] : memref<512x128xf32, #tpu.memory_space<vmem>>, vector<512x128xf32>
    tpu.vector_store %arg3[%swap3A, %swap3A_15], %sub3A_14 {strides = array<i32>} : memref<512x128xf32, #tpu.memory_space<vmem>>, vector<512x128xf32>,
    return
  }
  func.func @transform_0(%arg0: i32) -> (i32, i32, i32) {
    %c0_i32 = arith.constant 0 : i32
    %c0_i32_0 = arith.constant 0 : i32
    %c0_i32_1 = arith.constant 0 : i32
    return %c0_i32, %arg0, %c0_i32_0 : i32, i32, i32
  }
  func.func @transform_1(%arg0: i32) -> (i32, i32) {
    %c0_i32 = arith.constant 0 : i32
    %c0_i32_0 = arith.constant 0 : i32
    return %arg0, %c0_i32 : i32, i32
  }
  func.func @transform_2(%arg0: i32) -> (i32, i32) {
    %c0_i32 = arith.constant 0 : i32
    %c0_i32_0 = arith.constant 0 : i32
    return %arg0, %c0_i32 : i32, i32
  }
}

module attributes {stable_mosaic.version = 14 : i64} {
  func.func @_atom_body(%arg0: i32, %arg1: memref<3x160x128xf32, #tpu.memory_space<vmem>>, %arg2: memref<3x160x128xf32, #tpu.memory_space<vmem>>, %arg3: memref<16x160x128xf32, #tpu.memory_space<vmem>>, %arg4: memref<160x128xi32, #tpu.memory_space<vmem>>, %arg5: memref<6x160x128xf32, #tpu.memory_space<vmem>>, %arg6: memref<160x128xi32, #tpu.memory_space<vmem>>, %arg7: memref<160x128xf32, #tpu.memory_space<vmem>>, %arg8: memref<160x128xf32, #tpu.memory_space<vmem>>, %arg9: memref<160x128xf32, #tpu.memory_space<vmem>>) attributes {dimension_semantics = [#tpu.dimension_semantics<arbitrary>], iteration_bounds = array<i64: 5>, scalar_prefetch = 0 : i64, scratch_operands = 0 : i64, tpu.core_type = #tpu.core_type<tc>, window_params = [{transform_indices = @transform_0, window_bounds = array<i64: 3, 160, 128>}, {transform_indices = @transform_1, window_bounds = array<i64: 3, 160, 128>}, {transform_indices = @transform_2, window_bounds = array<i64: 16, 160, 128>}, {transform_indices = @transform_3, window_bounds = array<i64: 160, 128>}, {transform_indices = @transform_4, window_bounds = array<i64: 6, 160, 128>}, {transform_indices = @transform_5, window_bounds = array<i64: 160, 128>}, {transform_indices = @transform_6, window_bounds = array<i64: 160, 128>}, {transform_indices = @transform_7, window_bounds = array<i64: 160, 128>}, {transform_indices = @transform_8, window_bounds = array<i64: 160, 128>}]} {
    %get3A = arith.constant 0 : index
    %get3A_0 = arith.constant 0 : index
    %get3A_1 = arith.constant 0 : index
    %get3A_2 = vector.load %arg1[%get3A, %get3A_0, %get3A_1] : memref<3x160x128xf32, #tpu.memory_space<vmem>>, vector<3x160x128xf32>
    %get3A_3 = arith.constant 0 : index
    %get3A_4 = arith.constant 0 : index
    %get3A_5 = arith.constant 0 : index
    %get3A_6 = vector.load %arg2[%get3A_3, %get3A_4, %get3A_5] : memref<3x160x128xf32, #tpu.memory_space<vmem>>, vector<3x160x128xf32>
    %sub3A = arith.subf %get3A_2, %get3A_6 : vector<3x160x128xf32>
    %mul3A = arith.mulf %sub3A, %sub3A : vector<3x160x128xf32>
    %reduce_sum3A = arith.constant dense<0.000000e+00> : vector<160x128xf32>
    %reduce_sum3A_7 = vector.multi_reduction <add>, %mul3A, %reduce_sum3A [0] : vector<3x160x128xf32> to vector<160x128xf32>
    %mul3A_8 = arith.constant 0.333333343 : f32
    %mul3A_9 = vector.broadcast %mul3A_8 : f32 to vector<160x128xf32>
    %mul3A_10 = arith.mulf %reduce_sum3A_7, %mul3A_9 : vector<160x128xf32>
    %swap3A = arith.constant 0 : index
    %swap3A_11 = arith.constant 0 : index
    %swap3A_12 = vector.load %arg7[%swap3A, %swap3A_11] : memref<160x128xf32, #tpu.memory_space<vmem>>, vector<160x128xf32>
    tpu.vector_store %arg7[%swap3A, %swap3A_11], %mul3A_10 {strides = array<i32>} : memref<160x128xf32, #tpu.memory_space<vmem>>, vector<160x128xf32>,
    %get3A_13 = arith.constant 0 : index
    %get3A_14 = arith.constant 0 : index
    %get3A_15 = arith.constant 0 : index
    %get3A_16 = vector.load %arg3[%get3A_13, %get3A_14, %get3A_15] : memref<16x160x128xf32, #tpu.memory_space<vmem>>, vector<16x160x128xf32>
    %get3A_17 = arith.constant 0 : index
    %get3A_18 = arith.constant 0 : index
    %get3A_19 = vector.load %arg4[%get3A_17, %get3A_18] : memref<160x128xi32, #tpu.memory_space<vmem>>, vector<160x128xi32>
    %reduce_max3A = arith.constant dense<0xFF800000> : vector<160x128xf32>
    %reduce_max3A_20 = vector.multi_reduction <maximumf>, %get3A_16, %reduce_max3A [0] : vector<16x160x128xf32> to vector<160x128xf32>
    %broadcast_in_dim3A = vector.shape_cast %reduce_max3A_20 : vector<160x128xf32> to vector<1x160x128xf32>
    %sub3A_21 = vector.broadcast %broadcast_in_dim3A : vector<1x160x128xf32> to vector<16x160x128xf32>
    %sub3A_22 = arith.subf %get3A_16, %sub3A_21 : vector<16x160x128xf32>
    %exp3A = math.exp %sub3A_22 : vector<16x160x128xf32>
    %reduce_sum3A_23 = arith.constant dense<0.000000e+00> : vector<160x128xf32>
    %reduce_sum3A_24 = vector.multi_reduction <add>, %exp3A, %reduce_sum3A_23 [0] : vector<16x160x128xf32> to vector<160x128xf32>
    %log3A = math.log %reduce_sum3A_24 : vector<160x128xf32>
    %add3A = arith.addf %reduce_max3A_20, %log3A : vector<160x128xf32>
    %iota3A = tpu.iota {dimensions = array<i32: 0>} : vector<16x160x128xi32>
    %broadcast_in_dim3A_25 = vector.shape_cast %get3A_19 : vector<160x128xi32> to vector<1x160x128xi32>
    %eq3A = vector.broadcast %broadcast_in_dim3A_25 : vector<1x160x128xi32> to vector<16x160x128xi32>
    %eq3A_26 = arith.cmpi eq, %iota3A, %eq3A : vector<16x160x128xi32>
    %jit3A = arith.constant 0.000000e+00 : f32
    %broadcast_in_dim3A_27 = vector.broadcast %jit3A : f32 to vector<16x160x128xf32>
    %select_n3A = arith.select %eq3A_26, %get3A_16, %broadcast_in_dim3A_27 : vector<16x160x128xi1>, vector<16x160x128xf32>
    %reduce_sum3A_28 = arith.constant dense<0.000000e+00> : vector<160x128xf32>
    %reduce_sum3A_29 = vector.multi_reduction <add>, %select_n3A, %reduce_sum3A_28 [0] : vector<16x160x128xf32> to vector<160x128xf32>
    %sub3A_30 = arith.subf %add3A, %reduce_sum3A_29 : vector<160x128xf32>
    %swap3A_31 = arith.constant 0 : index
    %swap3A_32 = arith.constant 0 : index
    %swap3A_33 = vector.load %arg8[%swap3A_31, %swap3A_32] : memref<160x128xf32, #tpu.memory_space<vmem>>, vector<160x128xf32>
    tpu.vector_store %arg8[%swap3A_31, %swap3A_32], %sub3A_30 {strides = array<i32>} : memref<160x128xf32, #tpu.memory_space<vmem>>, vector<160x128xf32>,
    %get3A_34 = arith.constant 0 : index
    %get3A_35 = arith.constant 0 : index
    %get3A_36 = arith.constant 0 : index
    %get3A_37 = vector.load %arg5[%get3A_34, %get3A_35, %get3A_36] : memref<6x160x128xf32, #tpu.memory_space<vmem>>, vector<6x160x128xf32>
    %get3A_38 = arith.constant 0 : index
    %get3A_39 = arith.constant 0 : index
    %get3A_40 = vector.load %arg6[%get3A_38, %get3A_39] : memref<160x128xi32, #tpu.memory_space<vmem>>, vector<160x128xi32>
    %reduce_max3A_41 = arith.constant dense<0xFF800000> : vector<160x128xf32>
    %reduce_max3A_42 = vector.multi_reduction <maximumf>, %get3A_37, %reduce_max3A_41 [0] : vector<6x160x128xf32> to vector<160x128xf32>
    %broadcast_in_dim3A_43 = vector.shape_cast %reduce_max3A_42 : vector<160x128xf32> to vector<1x160x128xf32>
    %sub3A_44 = vector.broadcast %broadcast_in_dim3A_43 : vector<1x160x128xf32> to vector<6x160x128xf32>
    %sub3A_45 = arith.subf %get3A_37, %sub3A_44 : vector<6x160x128xf32>
    %exp3A_46 = math.exp %sub3A_45 : vector<6x160x128xf32>
    %reduce_sum3A_47 = arith.constant dense<0.000000e+00> : vector<160x128xf32>
    %reduce_sum3A_48 = vector.multi_reduction <add>, %exp3A_46, %reduce_sum3A_47 [0] : vector<6x160x128xf32> to vector<160x128xf32>
    %log3A_49 = math.log %reduce_sum3A_48 : vector<160x128xf32>
    %add3A_50 = arith.addf %reduce_max3A_42, %log3A_49 : vector<160x128xf32>
    %iota3A_51 = tpu.iota {dimensions = array<i32: 0>} : vector<6x160x128xi32>
    %broadcast_in_dim3A_52 = vector.shape_cast %get3A_40 : vector<160x128xi32> to vector<1x160x128xi32>
    %eq3A_53 = vector.broadcast %broadcast_in_dim3A_52 : vector<1x160x128xi32> to vector<6x160x128xi32>
    %eq3A_54 = arith.cmpi eq, %iota3A_51, %eq3A_53 : vector<6x160x128xi32>
    %jit3A_55 = arith.constant 0.000000e+00 : f32
    %broadcast_in_dim3A_56 = vector.broadcast %jit3A_55 : f32 to vector<6x160x128xf32>
    %select_n3A_57 = arith.select %eq3A_54, %get3A_37, %broadcast_in_dim3A_56 : vector<6x160x128xi1>, vector<6x160x128xf32>
    %reduce_sum3A_58 = arith.constant dense<0.000000e+00> : vector<160x128xf32>
    %reduce_sum3A_59 = vector.multi_reduction <add>, %select_n3A_57, %reduce_sum3A_58 [0] : vector<6x160x128xf32> to vector<160x128xf32>
    %sub3A_60 = arith.subf %add3A_50, %reduce_sum3A_59 : vector<160x128xf32>
    %swap3A_61 = arith.constant 0 : index
    %swap3A_62 = arith.constant 0 : index
    %swap3A_63 = vector.load %arg9[%swap3A_61, %swap3A_62] : memref<160x128xf32, #tpu.memory_space<vmem>>, vector<160x128xf32>
    tpu.vector_store %arg9[%swap3A_61, %swap3A_62], %sub3A_60 {strides = array<i32>} : memref<160x128xf32, #tpu.memory_space<vmem>>, vector<160x128xf32>,
    return
  }
  func.func @transform_0(%arg0: i32) -> (i32, i32, i32) {
    %c0_i32 = arith.constant 0 : i32
    %c0_i32_0 = arith.constant 0 : i32
    %c0_i32_1 = arith.constant 0 : i32
    return %c0_i32, %arg0, %c0_i32_0 : i32, i32, i32
  }
  func.func @transform_1(%arg0: i32) -> (i32, i32, i32) {
    %c0_i32 = arith.constant 0 : i32
    %c0_i32_0 = arith.constant 0 : i32
    %c0_i32_1 = arith.constant 0 : i32
    return %c0_i32, %arg0, %c0_i32_0 : i32, i32, i32
  }
  func.func @transform_2(%arg0: i32) -> (i32, i32, i32) {
    %c0_i32 = arith.constant 0 : i32
    %c0_i32_0 = arith.constant 0 : i32
    %c0_i32_1 = arith.constant 0 : i32
    return %c0_i32, %arg0, %c0_i32_0 : i32, i32, i32
  }
  func.func @transform_3(%arg0: i32) -> (i32, i32) {
    %c0_i32 = arith.constant 0 : i32
    %c0_i32_0 = arith.constant 0 : i32
    return %arg0, %c0_i32 : i32, i32
  }
  func.func @transform_4(%arg0: i32) -> (i32, i32, i32) {
    %c0_i32 = arith.constant 0 : i32
    %c0_i32_0 = arith.constant 0 : i32
    %c0_i32_1 = arith.constant 0 : i32
    return %c0_i32, %arg0, %c0_i32_0 : i32, i32, i32
  }
  func.func @transform_5(%arg0: i32) -> (i32, i32) {
    %c0_i32 = arith.constant 0 : i32
    %c0_i32_0 = arith.constant 0 : i32
    return %arg0, %c0_i32 : i32, i32
  }
  func.func @transform_6(%arg0: i32) -> (i32, i32) {
    %c0_i32 = arith.constant 0 : i32
    %c0_i32_0 = arith.constant 0 : i32
    return %arg0, %c0_i32 : i32, i32
  }
  func.func @transform_7(%arg0: i32) -> (i32, i32) {
    %c0_i32 = arith.constant 0 : i32
    %c0_i32_0 = arith.constant 0 : i32
    return %arg0, %c0_i32 : i32, i32
  }
  func.func @transform_8(%arg0: i32) -> (i32, i32) {
    %c0_i32 = arith.constant 0 : i32
    %c0_i32_0 = arith.constant 0 : i32
    return %arg0, %c0_i32 : i32, i32
  }
}

module attributes {stable_mosaic.version = 14 : i64} {
  func.func @_bond_mean_body(%arg0: memref<16x100000xf32, #tpu.memory_space<vmem>>, %arg1: memref<16x100000xf32, #tpu.memory_space<vmem>>, %arg2: memref<100000xf32, #tpu.memory_space<vmem>>) attributes {dimension_semantics = [], scalar_prefetch = 0 : i64, scratch_operands = 0 : i64, tpu.core_type = #tpu.core_type<tc>} {
    %get3A = arith.constant 0 : index
    %get3A_0 = arith.constant 0 : index
    %get3A_1 = vector.load %arg0[%get3A, %get3A_0] : memref<16x100000xf32, #tpu.memory_space<vmem>>, vector<16x100000xf32>
    %reduce_sum3A = arith.constant dense<0.000000e+00> : vector<100000xf32>
    %reduce_sum3A_2 = vector.multi_reduction <add>, %get3A_1, %reduce_sum3A [0] : vector<16x100000xf32> to vector<100000xf32>
    %get3A_3 = arith.constant 0 : index
    %get3A_4 = arith.constant 0 : index
    %get3A_5 = vector.load %arg1[%get3A_3, %get3A_4] : memref<16x100000xf32, #tpu.memory_space<vmem>>, vector<16x100000xf32>
    %reduce_sum3A_6 = arith.constant dense<0.000000e+00> : vector<100000xf32>
    %reduce_sum3A_7 = vector.multi_reduction <add>, %get3A_5, %reduce_sum3A_6 [0] : vector<16x100000xf32> to vector<100000xf32>
    %mul3A = arith.constant 5.000000e-01 : f32
    %mul3A_8 = vector.broadcast %mul3A : f32 to vector<100000xf32>
    %mul3A_9 = arith.mulf %mul3A_8, %reduce_sum3A_2 : vector<100000xf32>
    %div3A = arith.divf %mul3A_9, %reduce_sum3A_7 : vector<100000xf32>
    %swap3A = arith.constant 0 : index
    %swap3A_10 = vector.load %arg2[%swap3A] : memref<100000xf32, #tpu.memory_space<vmem>>, vector<100000xf32>
    tpu.vector_store %arg2[%swap3A], %div3A {strides = array<i32>} : memref<100000xf32, #tpu.memory_space<vmem>>, vector<100000xf32>,
    return
  }
}

module attributes {stable_mosaic.version = 14 : i64} {
  func.func @_final_body(%arg0: memref<25x5x4096xf32, #tpu.memory_space<vmem>>, %arg1: memref<4096xf32, #tpu.memory_space<vmem>>, %arg2: memref<8xf32, #tpu.memory_space<vmem>>) attributes {dimension_semantics = [], scalar_prefetch = 0 : i64, scratch_operands = 0 : i64, tpu.core_type = #tpu.core_type<tc>} {
    %get3A = arith.constant 0 : index
    %get3A_0 = arith.constant 0 : index
    %get3A_1 = arith.constant 0 : index
    %get3A_2 = vector.load %arg0[%get3A, %get3A_0, %get3A_1] : memref<25x5x4096xf32, #tpu.memory_space<vmem>>, vector<25x5x4096xf32>
    %reduce_sum3A = arith.constant dense<0.000000e+00> : vector<5x4096xf32>
    %reduce_sum3A_3 = vector.multi_reduction <add>, %get3A_2, %reduce_sum3A [0] : vector<25x5x4096xf32> to vector<5x4096xf32>
    %slice3A = vector.extract_strided_slice %reduce_sum3A_3 {offsets = [4, 0], sizes = [1, 4096], strides = [1, 1]} : vector<5x4096xf32> to vector<1x4096xf32>
    %slice3A_4 = vector.extract_strided_slice %reduce_sum3A_3 {offsets = [0, 0], sizes = [4, 4096], strides = [1, 1]} : vector<5x4096xf32> to vector<4x4096xf32>
    %div3A = vector.broadcast %slice3A : vector<1x4096xf32> to vector<4x4096xf32>
    %div3A_5 = arith.divf %slice3A_4, %div3A : vector<4x4096xf32>
    %ne3A = arith.cmpf one, %div3A_5, %div3A_5 : vector<4x4096xf32>
    %jit3A = arith.constant 0.000000e+00 : f32
    %broadcast_in_dim3A = vector.broadcast %jit3A : f32 to vector<4x4096xf32>
    %select_n3A = arith.select %ne3A, %broadcast_in_dim3A, %div3A_5 : vector<4x4096xi1>, vector<4x4096xf32>
    %get3A_6 = arith.constant 0 : index
    %get3A_7 = vector.load %arg1[%get3A_6] : memref<4096xf32, #tpu.memory_space<vmem>>, vector<4096xf32>
    %broadcast_in_dim3A_8 = vector.shape_cast %get3A_7 : vector<4096xf32> to vector<1x4096xf32>
    %mul3A = vector.broadcast %broadcast_in_dim3A_8 : vector<1x4096xf32> to vector<4x4096xf32>
    %mul3A_9 = arith.mulf %select_n3A, %mul3A : vector<4x4096xf32>
    %reduce_sum3A_10 = arith.constant dense<0.000000e+00> : vector<4xf32>
    %reduce_sum3A_11 = vector.multi_reduction <add>, %mul3A_9, %reduce_sum3A_10 [1] : vector<4x4096xf32> to vector<4xf32>
    %broadcast_in_dim3A_12 = arith.constant 0.000000e+00 : f32
    %broadcast_in_dim3A_13 = vector.broadcast %broadcast_in_dim3A_12 : f32 to vector<4xf32>
    %concatenate3A = tpu.concatenate %reduce_sum3A_11, %broadcast_in_dim3A_13 in 0 : vector<4xf32>, vector<4xf32> -> vector<8xf32>
    %swap3A = arith.constant 0 : index
    %swap3A_14 = vector.load %arg2[%swap3A] : memref<8xf32, #tpu.memory_space<vmem>>, vector<8xf32>
    tpu.vector_store %arg2[%swap3A], %concatenate3A {strides = array<i32>} : memref<8xf32, #tpu.memory_space<vmem>>, vector<8xf32>,
    return
  }
}

</mosaic_0001>

<sc_bundles>
// kernel: kernel.11.cloned.1.call-start
scs
__scs_entry_jumppad:
0x0: {  	(pc) =	sbr.rel $0x88, $3  }
0x1: {  	(tag) =	ssettag $0x0;
	lr =	simm.s32 $0x1  }
0x2: {  	[smem:$0x3F96] =	sst lr;
	_ =	strace $0xD0000000  }
0x3: {  	_ = 	snop  }
0x4: {  	_ = 	snop  }
0x5: {  	_ = 	snop  }
0x6: {  	_ = 	snop  }
0x7: {  	_ = 	snop  }
__scs_overlays_trampoline_lowered:
0x8: {  	[smem:$0x3FA5] =	sst s0  }
0x9: {  	[smem:$0x3FA6] =	sst s1  }
0xa: {  	[smem:$0x3FA7] =	sst s2  }
0xb: {  	[smem:$0x3FA8] =	sst s3  }
0xc: {  	[smem:$0x3FA9] =	sst s4  }
0xd: {  	[smem:$0x3FAA] =	sst s5  }
0xe: {  	[smem:$0x3FAB] =	sst s6  }
0xf: {  	[smem:$0x3FAC] =	sst s7  }
0x10: {  	[smem:$0x3FAD] =	sst s8  }
0x11: {  	[smem:$0x3FAE] =	sst s9;
	s0 =	simm.s32 @!p0 $0x0  }
0x12: {  	s1 =	sld [smem:$0x3F94];
	s0 =	simm.s32 @p0 $0x1  }
0x13: {  	[smem:$0x3FAF] =	sst s0;
	s0 =	simm.s32 @!p1 $0x0  }
0x14: {  	s2 =	sld [smem:$0x3F93];
	s0 =	simm.s32 @p1 $0x1  }
0x15: {  	[smem:$0x3FB0] =	sst s0;
	s0 =	simm.s32 @!p2 $0x0  }
0x16: {  	s3 =	sld [smem:$0x3FDB];
	s0 =	simm.s32 @p2 $0x1  }
0x17: {  	s4 =	simm.s32 $0x1BF5;
	[smem:$0x3FB2] =	sst s0  }
0x18: {  	s0 =	sld [smem:$0x3F95];
	_ =	swait.ge [sflag:s4], $0x0  }
0x19: {  	s7 =	sld [smem:$0x3F96]  }
0x1a: {  	s8 =	sadd.s32 $0xFFFFE003, lr  }
0x1b: {  	s9 =	sadd.s32 $0xFFFFFEF7, lr;
	s5 =	simm.s32 $0xFFFFFFFF;
	p2 =	slt.u32 s8, $0xFFFFF086  }
0x1c: {  	p1 =	slt.u32 s9, $0xF7A;
	s5 =	simm.s32 @!p2 $0x0  }
0x1d: {  	s5 =	simm.s32 @p1 $0x1;
	p0 =	seq.s32 s7, s2  }
0x1e: {  	s7 =	smul.u32 @!p0 $0xF7A, s2;
	p2 =	seq.s32 @!p0 s5, $0x0  }
0x1f: {  	s9 =	smul.u32 $0xF7A, s1;
	s8 =	simm.s32 @!p0 $0x1BF5;
	p2 =	por !p2, p0  }
0x20: {  	[sflag:s8] =	ssyncset.s32 @!p0 $0xFFFFF086;
	s6 =	sadd.s32 @!p0 s3, s7;
	s7 =	simm.s32 @!p0 $0x108  }
0x21: {  	s3 =	sadd.s32 s3, s9;
	s6 =	sadd.s32 @!p0 $0x88, s6;
	s7 =	simm.s32 @p2 $0x1082  }
0x22: {  	[simem:s7], [sflag:s8] =	dma.local @!p0 [hbm:s6], $0xF7A  }
0x23: {  	s9 =	sor.u32 $0xD0000000, s2;
	s6 =	simm.s32 $0x108;
	_ =	swait.ge @!p0 [sflag:s8], $0x0  }
0x24: {  	s3 =	sadd.s32 $0x88, s3;
	s6 =	simm.s32 @!p1 $0x1082;
	[sflag:s4] =	ssyncset.s32 $0xFFFFF086  }
0x25: {  	[simem:s6], [sflag:s4] =	dma.local [hbm:s3], $0xF7A  }
0x26: {  	[smem:$0x3F96] =	sst s1;
	(tag) =	ssettag s2;
	_ =	strace s9  }
0x27: {  	s1 =	sld [smem:$0x3FA6]  }
0x28: {  	s2 =	sld [smem:$0x3FA7]  }
0x29: {  	s4 =	sld [smem:$0x3FA9]  }
0x2a: {  	p0 =	seq.s32 s5, $0x0;
	s5 =	sld [smem:$0x3FAA]  }
0x2b: {  	s6 =	sld [smem:$0x3FAB]  }
0x2c: {  	s7 =	sld [smem:$0x3FAC]  }
0x2d: {  	s3 =	simm.s32 $0x108;
	s8 =	sld [smem:$0x3FAD]  }
0x2e: {  	s3 =	simm.s32 @!p0 $0x1082;
	s9 =	sld [smem:$0x3FAE]  }
0x2f: {  	lr =	sadd.s32 s0, s3;
	s0 =	sld [smem:$0x3FA5]  }
0x30: {  	s3 =	sld [smem:$0x3FA8]  }
0x31: {  	[smem:$0x3FB1] =	sst s10  }
0x32: {  	s10 =	sld [smem:$0x3FAF];
	_ =	sdelay $0x3  }
0x33: {  	p0 =	seq.s32 s10, $0x1;
	s10 =	sld [smem:$0x3FB1];
	_ =	sdelay $0x3  }
0x34: {  	[smem:$0x3FB1] =	sst s10  }
0x35: {  	s10 =	sld [smem:$0x3FB0];
	_ =	sdelay $0x3  }
0x36: {  	p1 =	seq.s32 s10, $0x1;
	s10 =	sld [smem:$0x3FB1];
	_ =	sdelay $0x3  }
0x37: {  	[smem:$0x3FB1] =	sst s10  }
0x38: {  	s10 =	sld [smem:$0x3FB2]  }
0x39: {  	_ = 	snop;
	(pc) =	sbr.ind lr, $3  }
0x3a: {  	_ = 	snop  }
0x3b: {  	_ = 	snop  }
0x3c: {  	p2 =	seq.s32 s10, $0x1;
	s10 =	sld [smem:$0x3FB1]  }
0x3d: {  	_ =	shalt  }
0x3e: {  	_ =	shalt  }
0x3f: {  	_ =	shalt  }
0x40: {  	_ =	shalt  }
0x41: {  	_ =	shalt  }
0x42: {  	_ =	shalt  }
0x43: {  	_ =	shalt  }
0x44: {  	_ =	shalt  }
0x45: {  	_ =	shalt  }
0x46: {  	_ =	shalt  }
0x47: {  	_ =	shalt  }
0x48: {  	_ =	shalt  }
0x49: {  	_ =	shalt  }
0x4a: {  	_ =	shalt  }
0x4b: {  	_ =	shalt  }
0x4c: {  	_ =	shalt  }
0x4d: {  	_ =	shalt  }
0x4e: {  	_ =	shalt  }
0x4f: {  	_ =	shalt  }
0x50: {  	_ =	shalt  }
0x51: {  	_ =	shalt  }
0x52: {  	_ =	shalt  }
0x53: {  	_ =	shalt  }
0x54: {  	_ =	shalt  }
0x55: {  	_ =	shalt  }
0x56: {  	_ =	shalt  }
0x57: {  	_ =	shalt  }
0x58: {  	_ =	shalt  }
0x59: {  	_ =	shalt  }
0x5a: {  	_ =	shalt  }
0x5b: {  	_ =	shalt  }
0x5c: {  	_ =	shalt  }
0x5d: {  	_ =	shalt  }
0x5e: {  	_ =	shalt  }
0x5f: {  	_ =	shalt  }
0x60: {  	_ =	shalt  }
0x61: {  	_ =	shalt  }
0x62: {  	_ =	shalt  }
0x63: {  	_ =	shalt  }
0x64: {  	_ =	shalt  }
0x65: {  	_ =	shalt  }
0x66: {  	_ =	shalt  }
0x67: {  	_ =	shalt  }
0x68: {  	_ =	shalt  }
0x69: {  	_ =	shalt  }
0x6a: {  	_ =	shalt  }
0x6b: {  	_ =	shalt  }
0x6c: {  	_ =	shalt  }
0x6d: {  	_ =	shalt  }
0x6e: {  	_ =	shalt  }
0x6f: {  	_ =	shalt  }
0x70: {  	_ =	shalt  }
0x71: {  	_ =	shalt  }
0x72: {  	_ =	shalt  }
0x73: {  	_ =	shalt  }
0x74: {  	_ =	shalt  }
0x75: {  	_ =	shalt  }
0x76: {  	_ =	shalt  }
0x77: {  	_ =	shalt  }
0x78: {  	_ =	shalt  }
0x79: {  	_ =	shalt  }
0x7a: {  	_ =	shalt  }
0x7b: {  	_ =	shalt  }
0x7c: {  	_ =	shalt  }
0x7d: {  	_ =	shalt  }
0x7e: {  	_ =	shalt  }
0x7f: {  	_ =	shalt  }
0x80: {  	_ =	shalt  }
0x81: {  	_ =	shalt  }
0x82: {  	_ =	shalt  }
0x83: {  	_ =	shalt  }
0x84: {  	_ =	shalt  }
0x85: {  	_ =	shalt  }
0x86: {  	_ =	shalt  }
0x87: {  	_ =	shalt  }
.Lfunc_end0:
.L_simem_size_0:
called_computation.1_lowered:
.L_overlay_start_0:
0x88: {  	s2 =	sld [smem:$0x3FD9]  }
0x89: {  	s3 =	sld [smem:$0x3FFE];
	_ =	sdelay $0x1  }
0x8a: {  	s1 =	srdreg.scid  }
0x8b: {  	s0 =	sand.u32 $0x1, s1  }
0x8c: {  	s17 =	sshll.u32 s0, $0xA;
	s2 =	sadd.s32 s3, s2  }
0x8d: {  	s2 =	sadd.s32 s2, s17  }
0x8e: {  	[smem:$0x3FBD] =	sst s2  }
0x8f: {  	_ = 	snop  }
0x90: {  	s2 =	sld [smem:$0x3FC1];
	(tm) =	ssettm $0x1  }
0x91: {  	s18 =	sld [smem:$0x3FFB];
	_ =	sdelay $0x3  }
0x92: {  	_ =	strace s18  }
0x93: {  	s3 =	sld [smem:$0x3FFC];
	_ =	sdelay $0x3  }
0x94: {  	_ =	strace s3  }
0x95: {  	s3 =	sld [smem:$0x3FFD];
	_ =	sdelay $0x3  }
0x96: {  	_ =	strace s3  }
0x97: {  	_ =	strace $0x8FFFFFFF  }
0x98: {  	s19 =	sld [smem:$0x3FDB];
	_ =	sdelay $0x1  }
0x99: {  	s4 =	simm.s32 $_scs_section_size  }
0x9a: {  	s5 =	simm.s32 $_size__tile_overlayer_lowered;
	s6 =	simm.s32 $_tile_overlayer_lowered  }
0x9b: {  	s22 =	simm.s32 $0x1BFF;
	s21 =	sshll.u32 s6, $0x1;
	s3 =	sadd.s32 s4, s19  }
0x9c: {  	s7 =	simm.s32 $0x0;
	s20 =	sshll.u32 s5, $0x1;
	s5 =	sadd.s32 s21, s3  }
0x9d: {  	[timem:s7], [sflag:s22] =	dma.local [hbm:s5], s20  }
0x9e: {  	_ =	swait.ge [sflag:s22], s20  }
0x9f: {  	s4 =	ssub.s32 $0x0, s20;
	[sflag:s22] =	ssyncset.done $0x0  }
0xa0: {  	[sflag:s22] =	ssyncadd.s32 s4;
	_ =	sdelay $0x1  }
0xa1: {  	s23 =	simm.s32 $0x1B8B  }
0xa2: {  	_ =	swait.ge [sflag:s23], $0x1  }
0xa3: {  	[sflag:s23] =	ssyncset.done $0x0  }
0xa4: {  	s25 =	simm.s32 $0x1B8E;
	s24 =	sld [smem:$0x3FFE];
	[sflag:s23] =	ssyncadd.s32 $0xFFFFFFFF  }
0xa5: {  	s26 =	simm.s32 $execute0_lowered;
	[smem:$0x3FD2] =	sst s25  }
0xa6: {  	s5 =	sshll.u32 s26, $0x1;
	_ =	strace $0x80000049;
	[dreg:$0x1] =	wrdreg $0xFFFFFFFF  }
0xa7: {  	s28 =	simm.s32 $_size_execute0_lowered;
	s3 =	sadd.s32 s3, s5;
	[dreg:$0x0] =	wrdreg $0x0  }
0xa8: {  	s5 =	sshll.u32 s28, $0x1;
	[dreg:$0x2] =	wrdreg s3  }
0xa9: {  	[dreg:$0x3] =	wrdreg s5  }
0xaa: {  	[dreg:$0x4] =	wrdreg $0xC0  }
0xab: {  	_ =	task [dreg:s7], $0x5FFFF  }
0xac: {  	[dreg:$0x1] =	wrdreg $0xFFFFFFFF  }
0xad: {  	[dreg:$0x0] =	wrdreg $0x60  }
0xae: {  	[dreg:$0x2] =	wrdreg s2  }
0xaf: {  	[dreg:$0x3] =	wrdreg s24  }
0xb0: {  	[dreg:$0x4] =	wrdreg $0x9  }
0xb1: {  	_ =	task.clear_ibuf [dreg:s7], $0x5FFFF;
	_ =	strace $0x90000049  }
0xb2: {  	s29 =	simm.s32 $0x9;
	_ =	strace $0x8000004B  }
0xb3: {  	_ =	swait.ge [sflag:s29], $0x1  }
0xb4: {  	[sflag:s29] =	ssyncadd.s32 $0xFFFFFFFF  }
0xb5: {  	_ =	strace $0x9000004B  }
0xb6: {  	_ =	sfence  }
0xb7: {  	s30 =	sld [smem:$0x0];
	_ =	sdelay $0x2  }
0xb8: {  	s31 =	sshll.u32 s1, $0xD;
	s1 =	sshrl.u32 s1, $0x2  }
0xb9: {  	s3 =	sand.u32 $0x4000, s31;
	s1 =	sadd.s32 s1, s30  }
0xba: {  	s0 =	sor.u32 s3, s0;
	s1 =	sshll.u32 s1, $0x11  }
0xbb: {  	s0 =	sor.u32 s1, s0  }
0xbc: {  	s0 =	sadd.s32 $0x8F2B, s0  }
0xbd: {  	[sflag:s0] =	ssyncadd.remote.s32 $0x1  }
0xbe: {  	_ =	sfence.sel $0xFFFF  }
0xbf: {  	[dreg:$0x0] =	wrdreg $0xFFFFFFFF;
	(pc) =	sbr.abs _section_cstart, $3  }
0xc0: {  	[dreg:$0x1] =	wrdreg $0xFFFFFFFF  }
0xc1: {  	_ =	task.clear_ibuf [dreg:s7], $0x2FFFF;
	_ =	strace $0x9FFFFFFF  }
0xc2: {  	(tm) =	ssettm $0x7FFFFFFF  }
0xc3: {  	_ =	shalt  }
tec
execute0_lowered:
.L_overlay_start_1:
0x0: {  	(tag) =	ssettag $0x1  }
0x1: {  	s1 =	srdreg.scid;
	s0 =	stileid.u32  }
0x2: {  	s6 =	sand.u32 $0x1, s1;
	s3 =	sshll.u32 s0, $0x1  }
0x3: {  	s3 =	sor.u32 s6, s3  }
0x4: {  	p0 =	sgt.u32 s3, $0x18  }
.Ltmp0:
0x5: {  	_ = 	snop;
	(pc) =	sbr.rel @p0 .LBB2_7-.Ltmp0, $4  }
0x6: {  	s4 =	rddreg [dreg:$0x0]  }
0x7: {  	s5 =	rddreg [dreg:$0x1];
	s2 =	simm.s32 $0x0  }
0x8: {  	[smem:$0x7FF] =	sst s2  }
0x9: {  	s1 =	rddreg [dreg:$0x2];
	_ =	strace $0x8000004A  }
0xa: {  	s7 =	smul.u32 $0x1F4, s3;
	s8 =	sshll.u32 s3, $0xC  }
0xb: {  	s3 =	sadd.s32 $0x6C00, s5;
	s11 =	ssub.s32 $0x2, s6;
	s13 =	simm.s32 $0x9000  }
0xc: {  	s14 =	simm.s32 $0xA000;
	s15 =	simm.s32 $0xB000;
	s16 =	simm.s32 $0xC000  }
0xd: {  	s17 =	simm.s32 $0x1;
	s18 =	simm.s32 $0x0;
	s10 =	sadd.s32 s8, s5  }
0xe: {  	s12 =	sshrl.u32 s11, $0x1;
	s9 =	sadd.s32 s7, s5;
	s4 =	sadd.s32 s4, s7  }
0xf: {  	s31 =	ssub.s32 s11, s12;
	s11 =	simm.s32 $0x2;
	s12 =	simm.s32 $0x8000  }
0x10: {  	s5 =	sadd.s32 $0x9A800, s9;
	s6 =	sadd.s32 $0x9DA00, s9;
	s7 =	sadd.s32 $0xA0C00, s9  }
0x11: {  	v0 =	vimm.f32 $1.000000000e+00;
	s8 =	sadd.s32 $0x3A00, s9;
	s9 =	sadd.s32 $0x7C00, s10;
	s10 =	smax.u32 s31, $0x1  }
.LBB2_2:
0x12: {  	[tilespmem:s2], [sflag:$0x2] =	stream.linear.gather [hbm4b:s3+s2], $0x8000, $0x38;
	[tilespmem:$0xD000] =	vst v63  }
0x13: {  	_ =	swait.ge [sflag:s11], $0x8000  }
0x14: {  	[sflag:s11] =	ssyncset.done $0x0  }
0x15: {  	[sflag:s11] =	ssyncadd.s32 $0xFFFF8000  }
0x16: {  	[tilespmem:s12], [sflag:$0x1] =	stream.linear.gather [hbm4b:s4+s2], $0xFA0, $0x38;
	[tilespmem:$0xD000] =	vst v63  }
0x17: {  	_ = 	snop  }
0x18: {  	[tilespmem:s13], [sflag:$0x1] =	stream.linear.gather [hbm4b:s5+s2], $0xFA0, $0x38;
	[tilespmem:$0xD000] =	vst v63  }
0x19: {  	_ = 	snop  }
0x1a: {  	[tilespmem:s14], [sflag:$0x1] =	stream.linear.gather [hbm4b:s6+s2], $0xFA0, $0x38;
	[tilespmem:$0xD000] =	vst v63  }
0x1b: {  	_ = 	snop  }
0x1c: {  	[tilespmem:s15], [sflag:$0x1] =	stream.linear.gather [hbm4b:s7+s2], $0xFA0, $0x38;
	[tilespmem:$0xD000] =	vst v63  }
0x1d: {  	_ = 	snop  }
0x1e: {  	[tilespmem:s16], [sflag:$0x1] =	stream.linear.gather [hbm4b:s8+s2], $0xFA0, $0x38;
	[tilespmem:$0xD000] =	vst v63  }
0x1f: {  	_ =	swait.ge [sflag:s17], $0xFA0  }
0x20: {  	[sflag:s17] =	ssyncset.done $0x0  }
0x21: {  	[sflag:s17] =	ssyncadd.s32 $0xFFFFF060  }
0x22: {  	_ =	swait.ge [sflag:s17], $0xFA0  }
0x23: {  	[sflag:s17] =	ssyncset.done $0x0  }
0x24: {  	[sflag:s17] =	ssyncadd.s32 $0xFFFFF060  }
0x25: {  	_ =	swait.ge [sflag:s17], $0xFA0  }
0x26: {  	[sflag:s17] =	ssyncset.done $0x0  }
0x27: {  	[sflag:s17] =	ssyncadd.s32 $0xFFFFF060  }
0x28: {  	_ =	swait.ge [sflag:s17], $0xFA0  }
0x29: {  	[sflag:s17] =	ssyncset.done $0x0  }
0x2a: {  	[sflag:s17] =	ssyncadd.s32 $0xFFFFF060  }
0x2b: {  	_ =	swait.ge [sflag:s17], $0xFA0  }
0x2c: {  	[sflag:s17] =	ssyncset.done $0x0  }
0x2d: {  	s19 =	simm.s32 $0x8020;
	[sflag:s17] =	ssyncadd.s32 $0xFFFFF060  }
0x2e: {  	v1 =	vld [tilespmem:s19+$0x10];
	_ =	sdelay $0x1  }
0x2f: {  	v2 =	vld [tilespmem:s19+$0xFFFFFFE0]  }
0x30: {  	v3 =	vld [tilespmem:s19+$0xFFFFFFF0];
	_ =	sdelay $0x1  }
0x31: {  	v4 =	vshll.u32 v1, $0x3  }
0x32: {  	s20 =	simm.s32 $0x9020;
	v1 =	vand.u32 $0x7F, v1;
	v4 =	vand.u32 $0xFFFFFC00, v4  }
0x33: {  	v5 =	vld [tilespmem:s20+$0x10];
	v6 =	vshll.u32 v2, $0x3;
	v1 =	vor.u32 v1, v4  }
0x34: {  	v8 =	vld [tilespmem:s20+$0xFFFFFFE0];
	v7 =	vshll.u32 v3, $0x3;
	v2 =	vand.u32 $0x7F, v2;
	v6 =	vand.u32 $0xFFFFFC00, v6  }
0x35: {  	v9 =	vld [tilespmem:s20+$0xFFFFFFF0];
	v3 =	vand.u32 $0x7F, v3;
	v7 =	vand.u32 $0xFFFFFC00, v7;
	v2 =	vor.u32 v2, v6  }
0x36: {  	v4 =	vld [tilespmem:s19+$0x0];
	v3 =	vor.u32 v3, v7  }
0x37: {  	s19 =	simm.s32 $0x0  }
0x38: {  	s21 =	simm.s32 $0xA020;
	[tilespmem:v1+s19+$0x0] =	vst.idx.add.f32.msk $0xffff, v5  }
0x39: {  	v7 =	vor.u32 $0x80, v1;
	v6 =	vld [tilespmem:s21+$0x10]  }
0x3a: {  	[tilespmem:v2+s19+$0x0] =	vst.idx.add.f32.msk $0xffff, v8  }
0x3b: {  	v5 =	vshll.u32 v4, $0x3;
	[tilespmem:v3+s19+$0x0] =	vst.idx.add.f32.msk $0xffff, v9  }
0x3c: {  	v4 =	vand.u32 $0x7F, v4;
	v8 =	vor.u32 $0x80, v3;
	v5 =	vand.u32 $0xFFFFFC00, v5;
	v9 =	vld [tilespmem:s21+$0xFFFFFFF0]  }
0x3d: {  	v10 =	vld [tilespmem:s20+$0x0];
	v11 =	vor.u32 v4, v5  }
0x3e: {  	s22 =	simm.s32 $0xB020;
	[tilespmem:v7+s19+$0x0] =	vst.idx.add.f32.msk $0xffff, v6  }
0x3f: {  	v5 =	vor.u32 $0x100, v1;
	v4 =	vld [tilespmem:s22+$0x10]  }
0x40: {  	v7 =	vld [tilespmem:s21+$0xFFFFFFE0]  }
0x41: {  	v6 =	vor.u32 $0x80, v2;
	[tilespmem:v8+s19+$0x0] =	vst.idx.add.f32.msk $0xffff, v9  }
0x42: {  	[tilespmem:v11+s19+$0x0] =	vst.idx.add.f32.msk $0xffff, v10  }
0x43: {  	v10 =	vor.u32 $0x80, v11;
	v12 =	vld [tilespmem:s21+$0x0]  }
0x44: {  	s23 =	simm.s32 $0xC020;
	[tilespmem:v5+s19+$0x0] =	vst.idx.add.f32.msk $0xffff, v4  }
0x45: {  	v5 =	vor.u32 $0x180, v1;
	v4 =	vld [tilespmem:s23+$0x10]  }
0x46: {  	[tilespmem:v6+s19+$0x0] =	vst.idx.add.f32.msk $0xffff, v7  }
0x47: {  	v6 =	vor.u32 $0x100, v2;
	v7 =	vld [tilespmem:s22+$0xFFFFFFE0]  }
0x48: {  	[tilespmem:v10+s19+$0x0] =	vst.idx.add.f32.msk $0xffff, v12  }
0x49: {  	v1 =	vor.u32 $0x200, v1;
	v10 =	vld [tilespmem:s22+$0x0]  }
0x4a: {  	v9 =	vor.u32 $0x100, v11;
	[tilespmem:v5+s19+$0x0] =	vst.idx.add.f32.msk $0xffff, v4  }
0x4b: {  	v4 =	vor.u32 $0x100, v3;
	v5 =	vld [tilespmem:s22+$0xFFFFFFF0]  }
0x4c: {  	[tilespmem:v6+s19+$0x0] =	vst.idx.add.f32.msk $0xffff, v7  }
0x4d: {  	v8 =	vld [tilespmem:s23+$0xFFFFFFE0]  }
0x4e: {  	[tilespmem:v1+s19+$0x0] =	vst.idx.add.f32.msk $0xffff, v0  }
0x4f: {  	[tilespmem:v9+s19+$0x0] =	vst.idx.add.f32.msk $0xffff, v10  }
0x50: {  	v6 =	vor.u32 $0x180, v2;
	v1 =	vor.u32 $0x180, v11;
	[tilespmem:v4+s19+$0x0] =	vst.idx.add.f32.msk $0xffff, v5;
	v5 =	vor.u32 $0x200, v2  }
0x51: {  	s24 =	simm.s32 $0x0;
	s26 =	simm.s32 $0x8060;
	s25 =	simm.s32 $0x0;
	v4 =	vor.u32 $0x180, v3;
	v3 =	vor.u32 $0x200, v3;
	v2 =	vor.u32 $0x200, v11;
	v7 =	vld [tilespmem:s23+$0xFFFFFFF0]  }
.LBB2_3:
0x52: {  	v9 =	vld [tilespmem:s26+$0x10]  }
0x53: {  	s24 =	sadd.s32 $0x4, s24;
	v10 =	vld [tilespmem:s26+$0xFFFFFFF0]  }
0x54: {  	p0 =	slt.u32 s24, $0xF4;
	v11 =	vld [tilespmem:s26+$0x0]  }
0x55: {  	v12 =	vld [tilespmem:s26+$0xFFFFFFE0]  }
0x56: {  	v13 =	vld [tilespmem:s23+$0x0]  }
0x57: {  	v14 =	vshll.u32 v9, $0x3;
	[tilespmem:v6+s25+$0x0] =	vst.idx.add.f32.msk $0xffff, v8  }
0x58: {  	s20 =	sadd.s32 $0x40, s20;
	v8 =	vand.u32 $0x7F, v9;
	v6 =	vshll.u32 v10, $0x3;
	v9 =	vand.u32 $0xFFFFFC00, v14;
	[tilespmem:v5+s25+$0x0] =	vst.idx.add.f32.msk $0xffff, v0  }
0x59: {  	v5 =	vand.u32 $0xFFFFFC00, v6;
	v6 =	vshll.u32 v11, $0x3;
	v14 =	vld [tilespmem:s20+$0x10];
	v8 =	vor.u32 v8, v9  }
0x5a: {  	v9 =	vld [tilespmem:s20+$0xFFFFFFE0];
	v15 =	vand.u32 $0x7F, v12;
	v12 =	vshll.u32 v12, $0x3;
	v6 =	vand.u32 $0xFFFFFC00, v6  }
0x5b: {  	v10 =	vand.u32 $0x7F, v10;
	v11 =	vand.u32 $0x7F, v11;
	v12 =	vand.u32 $0xFFFFFC00, v12;
	v16 =	vld [tilespmem:s20+$0xFFFFFFF0]  }
0x5c: {  	v10 =	vor.u32 v10, v5;
	v11 =	vor.u32 v11, v6;
	v12 =	vor.u32 v15, v12;
	v15 =	vld [tilespmem:s20+$0x0]  }
0x5d: {  	v18 =	vor.u32 $0x80, v10;
	v19 =	vor.u32 $0x80, v11;
	v17 =	vor.u32 $0x80, v12;
	[tilespmem:v4+s25+$0x0] =	vst.idx.add.f32.msk $0xffff, v7  }
0x5e: {  	s21 =	sadd.s32 $0x40, s21;
	v20 =	vor.u32 $0x100, v10;
	v21 =	vor.u32 $0x100, v11;
	v7 =	vor.u32 $0x100, v12;
	[tilespmem:v8+s19+$0x0] =	vst.idx.add.f32.msk $0xffff, v14  }
0x5f: {  	v22 =	vor.u32 $0x80, v8;
	v6 =	vor.u32 $0x180, v12;
	v5 =	vor.u32 $0x200, v12;
	v14 =	vld [tilespmem:s21+$0x10]  }
0x60: {  	v23 =	vor.u32 $0x180, v11;
	v4 =	vor.u32 $0x180, v10;
	[tilespmem:v3+s25+$0x0] =	vst.idx.add.f32.msk $0xffff, v0;
	v3 =	vor.u32 $0x200, v10  }
0x61: {  	[tilespmem:v12+s19+$0x0] =	vst.idx.add.f32.msk $0xffff, v9;
	v9 =	vor.u32 $0x200, v11  }
0x62: {  	[tilespmem:v10+s19+$0x0] =	vst.idx.add.f32.msk $0xffff, v16  }
0x63: {  	[tilespmem:v11+s19+$0x0] =	vst.idx.add.f32.msk $0xffff, v15  }
0x64: {  	s22 =	sadd.s32 $0x40, s22;
	[tilespmem:v22+s19+$0x0] =	vst.idx.add.f32.msk $0xffff, v14  }
0x65: {  	v11 =	vor.u32 $0x100, v8;
	v10 =	vld [tilespmem:s22+$0x10]  }
0x66: {  	v12 =	vld [tilespmem:s21+$0xFFFFFFE0]  }
0x67: {  	v14 =	vld [tilespmem:s21+$0xFFFFFFF0]  }
0x68: {  	v15 =	vld [tilespmem:s21+$0x0]  }
0x69: {  	[tilespmem:v1+s25+$0x0] =	vst.idx.add.f32.msk $0xffff, v13;
	v1 =	vmov v23  }
0x6a: {  	s23 =	sadd.s32 $0x40, s23;
	[tilespmem:v11+s19+$0x0] =	vst.idx.add.f32.msk $0xffff, v10  }
0x6b: {  	v11 =	vor.u32 $0x180, v8;
	v10 =	vld [tilespmem:s23+$0x10]  }
0x6c: {  	v8 =	vor.u32 $0x200, v8;
	[tilespmem:v17+s19+$0x0] =	vst.idx.add.f32.msk $0xffff, v12  }
0x6d: {  	[tilespmem:v18+s19+$0x0] =	vst.idx.add.f32.msk $0xffff, v14  }
0x6e: {  	[tilespmem:v19+s19+$0x0] =	vst.idx.add.f32.msk $0xffff, v15  }
0x6f: {  	v12 =	vld [tilespmem:s22+$0xFFFFFFE0]  }
0x70: {  	[tilespmem:v11+s19+$0x0] =	vst.idx.add.f32.msk $0xffff, v10  }
0x71: {  	[tilespmem:v8+s19+$0x0] =	vst.idx.add.f32.msk $0xffff, v0  }
0x72: {  	v10 =	vld [tilespmem:s22+$0xFFFFFFF0]  }
0x73: {  	v11 =	vld [tilespmem:s22+$0x0]  }
0x74: {  	[tilespmem:v7+s19+$0x0] =	vst.idx.add.f32.msk $0xffff, v12  }
.Ltmp1:
0x75: {  	v8 =	vld [tilespmem:s23+$0xFFFFFFE0];
	(pc) =	sbr.rel @p0 .LBB2_3-.Ltmp1, $4  }
0x76: {  	[tilespmem:v2+s25+$0x0] =	vst.idx.add.f32.msk $0xffff, v0;
	v2 =	vmov v9;
	s25 =	smov.u32 s19  }
0x77: {  	[tilespmem:v20+s25+$0x0] =	vst.idx.add.f32.msk $0xffff, v10  }
0x78: {  	[tilespmem:v21+s25+$0x0] =	vst.idx.add.f32.msk $0xffff, v11  }
0x79: {  	s26 =	sadd.s32 $0x40, s26;
	v7 =	vld [tilespmem:s23+$0xFFFFFFF0]  }
0x7a: {  	_ =	sdelay $0x2  }
0x7b: {  	v9 =	vld [tilespmem:s23+$0x0]  }
0x7c: {  	[tilespmem:v6+s25+$0x0] =	vst.idx.add.f32.msk $0xffff, v8  }
0x7d: {  	[tilespmem:v5+s25+$0x0] =	vst.idx.add.f32.msk $0xffff, v0  }
0x7e: {  	[tilespmem:v4+s25+$0x0] =	vst.idx.add.f32.msk $0xffff, v7  }
0x7f: {  	[tilespmem:v3+s25+$0x0] =	vst.idx.add.f32.msk $0xffff, v0  }
0x80: {  	[tilespmem:v1+s25+$0x0] =	vst.idx.add.f32.msk $0xffff, v9  }
0x81: {  	[tilespmem:v2+s25+$0x0] =	vst.idx.add.f32.msk $0xffff, v0  }
.LBB2_5:
0x82: {  	s20 =	sshra.s32 s19, $0x2  }
0x83: {  	v1 =	vld [tilespmem:s20+$0x8F80];
	_ =	sdelay $0x4  }
0x84: {  	v2 =	vshll.u32 v1, $0x3  }
0x85: {  	v1 =	vand.u32 $0x7F, v1;
	v2 =	vand.u32 $0xFFFFFC00, v2  }
0x86: {  	v3 =	vld [tilespmem:s20+$0x9F80];
	v1 =	vor.u32 v1, v2;
	_ =	sdelay $0x4  }
0x87: {  	[tilespmem:v1+s2+$0x0] =	vst.idx.add.f32.msk $0xffff, v3  }
0x88: {  	v3 =	vor.u32 $0x80, v1;
	v2 =	vld [tilespmem:s20+$0xAF80];
	_ =	sdelay $0x4  }
0x89: {  	[tilespmem:v3+s2+$0x0] =	vst.idx.add.f32.msk $0xffff, v2  }
0x8a: {  	v3 =	vor.u32 $0x100, v1;
	v2 =	vld [tilespmem:s20+$0xBF80];
	_ =	sdelay $0x4  }
0x8b: {  	[tilespmem:v3+s2+$0x0] =	vst.idx.add.f32.msk $0xffff, v2  }
0x8c: {  	v3 =	vor.u32 $0x180, v1;
	v2 =	vld [tilespmem:s20+$0xCF80]  }
0x8d: {  	p0 =	sne.s32 s19, $0x40;
	v1 =	vor.u32 $0x200, v1  }
.Ltmp2:
0x8e: {  	_ = 	snop;
	(pc) =	sbr.rel @p0 .LBB2_5-.Ltmp2, $3  }
0x8f: {  	_ =	sdelay $0x1  }
0x90: {  	[tilespmem:v3+s2+$0x0] =	vst.idx.add.f32.msk $0xffff, v2  }
0x91: {  	s19 =	sadd.s32 $0x40, s19;
	[tilespmem:v1+s2+$0x0] =	vst.idx.add.f32.msk $0xffff, v0  }
0x92: {  	s18 =	sadd.s32 $0x1, s18  }
0x93: {  	p0 =	sne.s32 s18, s10  }
.Ltmp3:
0x94: {  	_ = 	snop;
	(pc) =	sbr.rel @p0 .LBB2_2-.Ltmp3, $4  }
0x95: {  	[hbm4b:s9+s2] =	stream.linear.scatter [tilespmem:s2], [sflag:$0x2], $0x8000, $0x38;
	[tilespmem:$0xD000] =	vst v63  }
0x96: {  	_ =	swait.ge [sflag:s11], $0x8000  }
0x97: {  	[sflag:s11] =	ssyncset.done $0x0  }
0x98: {  	[sflag:s11] =	ssyncadd.s32 $0xFFFF8000  }
.LBB2_7:
0x99: {  	_ =	sfence.sel $0x180000  }
0x9a: {  	[bflag:$0x0] =	sbarrier.arrive $0xFFFF  }
0x9b: {  	p0 =	sne.s32 s0, $0x0;
	_ =	strace $0x9000004A  }
0x9c: {  	s0 =	sadd.s32 @!p0 $0x100000, s1;
	[bflag:$0x2] =	sbarrier.arrive $0xFFFF  }
0x9d: {  	[sflag:s0] =	ssyncadd.tile.s32 @!p0 $0x1;
	_ =	shalt  }
.Lfunc_end2:
_tile_overlayer_lowered:
.L_overlay_start_2:
0x9e: {  	(tag) =	ssettag $0x2  }
0x9f: {  	s0 =	rddreg [dreg:$0x0];
	s2 =	stileid.u32  }
0xa0: {  	s1 =	rddreg [dreg:$0x1];
	p0 =	sne.s32 s2, $0x0  }
0xa1: {  	s3 =	rddreg [dreg:$0x2];
	[bflag:$0x3] =	sbarrier.arrive $0xFFFF;
	s2 =	simm.s32 @!p0 $0x1C02  }
0xa2: {  	[timem:s3], [sflag:s2] =	dma.local @!p0 [hbm:s0], s1  }
0xa3: {  	s0 =	simm.s32 @!p0 $0x2  }
0xa4: {  	_ =	swait.ge @!p0 [sflag:s0], s1  }
0xa5: {  	s1 =	ssub.s32 @!p0 $0x0, s1;
	[sflag:s0] =	ssyncset.done @!p0 $0x0  }
0xa6: {  	[sflag:s0] =	ssyncadd.s32 @!p0 s1  }
0xa7: {  	[bflag:$0x3] =	sbarrier.arrive $0xFFFF  }
0xa8: {  	_ =	shalt  }

// kernel: kernel.8.cloned.1.call-start
scs
__scs_entry_jumppad:
0x0: {  	(pc) =	sbr.rel $0x88, $3  }
0x1: {  	(tag) =	ssettag $0x0;
	lr =	simm.s32 $0x1  }
0x2: {  	[smem:$0x3F96] =	sst lr;
	_ =	strace $0xD0000000  }
0x3: {  	_ = 	snop  }
0x4: {  	_ = 	snop  }
0x5: {  	_ = 	snop  }
0x6: {  	_ = 	snop  }
0x7: {  	_ = 	snop  }
__scs_overlays_trampoline_lowered:
0x8: {  	[smem:$0x3FA5] =	sst s0  }
0x9: {  	[smem:$0x3FA6] =	sst s1  }
0xa: {  	[smem:$0x3FA7] =	sst s2  }
0xb: {  	[smem:$0x3FA8] =	sst s3  }
0xc: {  	[smem:$0x3FA9] =	sst s4  }
0xd: {  	[smem:$0x3FAA] =	sst s5  }
0xe: {  	[smem:$0x3FAB] =	sst s6  }
0xf: {  	[smem:$0x3FAC] =	sst s7  }
0x10: {  	[smem:$0x3FAD] =	sst s8  }
0x11: {  	[smem:$0x3FAE] =	sst s9;
	s0 =	simm.s32 @!p0 $0x0  }
0x12: {  	s1 =	sld [smem:$0x3F94];
	s0 =	simm.s32 @p0 $0x1  }
0x13: {  	[smem:$0x3FAF] =	sst s0;
	s0 =	simm.s32 @!p1 $0x0  }
0x14: {  	s2 =	sld [smem:$0x3F93];
	s0 =	simm.s32 @p1 $0x1  }
0x15: {  	[smem:$0x3FB0] =	sst s0;
	s0 =	simm.s32 @!p2 $0x0  }
0x16: {  	s3 =	sld [smem:$0x3FDB];
	s0 =	simm.s32 @p2 $0x1  }
0x17: {  	s4 =	simm.s32 $0x1BF5;
	[smem:$0x3FB2] =	sst s0  }
0x18: {  	s0 =	sld [smem:$0x3F95];
	_ =	swait.ge [sflag:s4], $0x0  }
0x19: {  	s7 =	sld [smem:$0x3F96]  }
0x1a: {  	s8 =	sadd.s32 $0xFFFFE003, lr  }
0x1b: {  	s9 =	sadd.s32 $0xFFFFFEF7, lr;
	s5 =	simm.s32 $0xFFFFFFFF;
	p2 =	slt.u32 s8, $0xFFFFF086  }
0x1c: {  	p1 =	slt.u32 s9, $0xF7A;
	s5 =	simm.s32 @!p2 $0x0  }
0x1d: {  	s5 =	simm.s32 @p1 $0x1;
	p0 =	seq.s32 s7, s2  }
0x1e: {  	s7 =	smul.u32 @!p0 $0xF7A, s2;
	p2 =	seq.s32 @!p0 s5, $0x0  }
0x1f: {  	s9 =	smul.u32 $0xF7A, s1;
	s8 =	simm.s32 @!p0 $0x1BF5;
	p2 =	por !p2, p0  }
0x20: {  	[sflag:s8] =	ssyncset.s32 @!p0 $0xFFFFF086;
	s6 =	sadd.s32 @!p0 s3, s7;
	s7 =	simm.s32 @!p0 $0x108  }
0x21: {  	s3 =	sadd.s32 s3, s9;
	s6 =	sadd.s32 @!p0 $0x88, s6;
	s7 =	simm.s32 @p2 $0x1082  }
0x22: {  	[simem:s7], [sflag:s8] =	dma.local @!p0 [hbm:s6], $0xF7A  }
0x23: {  	s9 =	sor.u32 $0xD0000000, s2;
	s6 =	simm.s32 $0x108;
	_ =	swait.ge @!p0 [sflag:s8], $0x0  }
0x24: {  	s3 =	sadd.s32 $0x88, s3;
	s6 =	simm.s32 @!p1 $0x1082;
	[sflag:s4] =	ssyncset.s32 $0xFFFFF086  }
0x25: {  	[simem:s6], [sflag:s4] =	dma.local [hbm:s3], $0xF7A  }
0x26: {  	[smem:$0x3F96] =	sst s1;
	(tag) =	ssettag s2;
	_ =	strace s9  }
0x27: {  	s1 =	sld [smem:$0x3FA6]  }
0x28: {  	s2 =	sld [smem:$0x3FA7]  }
0x29: {  	s4 =	sld [smem:$0x3FA9]  }
0x2a: {  	p0 =	seq.s32 s5, $0x0;
	s5 =	sld [smem:$0x3FAA]  }
0x2b: {  	s6 =	sld [smem:$0x3FAB]  }
0x2c: {  	s7 =	sld [smem:$0x3FAC]  }
0x2d: {  	s3 =	simm.s32 $0x108;
	s8 =	sld [smem:$0x3FAD]  }
0x2e: {  	s3 =	simm.s32 @!p0 $0x1082;
	s9 =	sld [smem:$0x3FAE]  }
0x2f: {  	lr =	sadd.s32 s0, s3;
	s0 =	sld [smem:$0x3FA5]  }
0x30: {  	s3 =	sld [smem:$0x3FA8]  }
0x31: {  	[smem:$0x3FB1] =	sst s10  }
0x32: {  	s10 =	sld [smem:$0x3FAF];
	_ =	sdelay $0x3  }
0x33: {  	p0 =	seq.s32 s10, $0x1;
	s10 =	sld [smem:$0x3FB1];
	_ =	sdelay $0x3  }
0x34: {  	[smem:$0x3FB1] =	sst s10  }
0x35: {  	s10 =	sld [smem:$0x3FB0];
	_ =	sdelay $0x3  }
0x36: {  	p1 =	seq.s32 s10, $0x1;
	s10 =	sld [smem:$0x3FB1];
	_ =	sdelay $0x3  }
0x37: {  	[smem:$0x3FB1] =	sst s10  }
0x38: {  	s10 =	sld [smem:$0x3FB2]  }
0x39: {  	_ = 	snop;
	(pc) =	sbr.ind lr, $3  }
0x3a: {  	_ = 	snop  }
0x3b: {  	_ = 	snop  }
0x3c: {  	p2 =	seq.s32 s10, $0x1;
	s10 =	sld [smem:$0x3FB1]  }
0x3d: {  	_ =	shalt  }
0x3e: {  	_ =	shalt  }
0x3f: {  	_ =	shalt  }
0x40: {  	_ =	shalt  }
0x41: {  	_ =	shalt  }
0x42: {  	_ =	shalt  }
0x43: {  	_ =	shalt  }
0x44: {  	_ =	shalt  }
0x45: {  	_ =	shalt  }
0x46: {  	_ =	shalt  }
0x47: {  	_ =	shalt  }
0x48: {  	_ =	shalt  }
0x49: {  	_ =	shalt  }
0x4a: {  	_ =	shalt  }
0x4b: {  	_ =	shalt  }
0x4c: {  	_ =	shalt  }
0x4d: {  	_ =	shalt  }
0x4e: {  	_ =	shalt  }
0x4f: {  	_ =	shalt  }
0x50: {  	_ =	shalt  }
0x51: {  	_ =	shalt  }
0x52: {  	_ =	shalt  }
0x53: {  	_ =	shalt  }
0x54: {  	_ =	shalt  }
0x55: {  	_ =	shalt  }
0x56: {  	_ =	shalt  }
0x57: {  	_ =	shalt  }
0x58: {  	_ =	shalt  }
0x59: {  	_ =	shalt  }
0x5a: {  	_ =	shalt  }
0x5b: {  	_ =	shalt  }
0x5c: {  	_ =	shalt  }
0x5d: {  	_ =	shalt  }
0x5e: {  	_ =	shalt  }
0x5f: {  	_ =	shalt  }
0x60: {  	_ =	shalt  }
0x61: {  	_ =	shalt  }
0x62: {  	_ =	shalt  }
0x63: {  	_ =	shalt  }
0x64: {  	_ =	shalt  }
0x65: {  	_ =	shalt  }
0x66: {  	_ =	shalt  }
0x67: {  	_ =	shalt  }
0x68: {  	_ =	shalt  }
0x69: {  	_ =	shalt  }
0x6a: {  	_ =	shalt  }
0x6b: {  	_ =	shalt  }
0x6c: {  	_ =	shalt  }
0x6d: {  	_ =	shalt  }
0x6e: {  	_ =	shalt  }
0x6f: {  	_ =	shalt  }
0x70: {  	_ =	shalt  }
0x71: {  	_ =	shalt  }
0x72: {  	_ =	shalt  }
0x73: {  	_ =	shalt  }
0x74: {  	_ =	shalt  }
0x75: {  	_ =	shalt  }
0x76: {  	_ =	shalt  }
0x77: {  	_ =	shalt  }
0x78: {  	_ =	shalt  }
0x79: {  	_ =	shalt  }
0x7a: {  	_ =	shalt  }
0x7b: {  	_ =	shalt  }
0x7c: {  	_ =	shalt  }
0x7d: {  	_ =	shalt  }
0x7e: {  	_ =	shalt  }
0x7f: {  	_ =	shalt  }
0x80: {  	_ =	shalt  }
0x81: {  	_ =	shalt  }
0x82: {  	_ =	shalt  }
0x83: {  	_ =	shalt  }
0x84: {  	_ =	shalt  }
0x85: {  	_ =	shalt  }
0x86: {  	_ =	shalt  }
0x87: {  	_ =	shalt  }
.Lfunc_end0:
.L_simem_size_0:
called_computation_lowered:
.L_overlay_start_0:
0x88: {  	s2 =	sld [smem:$0x3FD9]  }
0x89: {  	s3 =	sld [smem:$0x3FFE];
	_ =	sdelay $0x1  }
0x8a: {  	s1 =	srdreg.scid  }
0x8b: {  	s0 =	sand.u32 $0x1, s1  }
0x8c: {  	s17 =	sshll.u32 s0, $0xA;
	s2 =	sadd.s32 s3, s2  }
0x8d: {  	s2 =	sadd.s32 s2, s17  }
0x8e: {  	[smem:$0x3FBD] =	sst s2  }
0x8f: {  	_ = 	snop  }
0x90: {  	s2 =	sld [smem:$0x3FC0];
	(tm) =	ssettm $0x1  }
0x91: {  	s18 =	sld [smem:$0x3FFB];
	_ =	sdelay $0x3  }
0x92: {  	_ =	strace s18  }
0x93: {  	s3 =	sld [smem:$0x3FFC];
	_ =	sdelay $0x3  }
0x94: {  	_ =	strace s3  }
0x95: {  	s3 =	sld [smem:$0x3FFD];
	_ =	sdelay $0x3  }
0x96: {  	_ =	strace s3  }
0x97: {  	_ =	strace $0x8FFFFFFF  }
0x98: {  	s19 =	sld [smem:$0x3FDB];
	_ =	sdelay $0x1  }
0x99: {  	s4 =	simm.s32 $_scs_section_size  }
0x9a: {  	s5 =	simm.s32 $_size__tile_overlayer_lowered;
	s6 =	simm.s32 $_tile_overlayer_lowered  }
0x9b: {  	s22 =	simm.s32 $0x1BFF;
	s21 =	sshll.u32 s6, $0x1;
	s3 =	sadd.s32 s4, s19  }
0x9c: {  	s7 =	simm.s32 $0x0;
	s20 =	sshll.u32 s5, $0x1;
	s5 =	sadd.s32 s21, s3  }
0x9d: {  	[timem:s7], [sflag:s22] =	dma.local [hbm:s5], s20  }
0x9e: {  	_ =	swait.ge [sflag:s22], s20  }
0x9f: {  	s4 =	ssub.s32 $0x0, s20;
	[sflag:s22] =	ssyncset.done $0x0  }
0xa0: {  	[sflag:s22] =	ssyncadd.s32 s4;
	_ =	sdelay $0x1  }
0xa1: {  	s23 =	simm.s32 $0x1B8B  }
0xa2: {  	_ =	swait.ge [sflag:s23], $0x1  }
0xa3: {  	[sflag:s23] =	ssyncset.done $0x0  }
0xa4: {  	s25 =	simm.s32 $0x1B8E;
	s24 =	sld [smem:$0x3FFE];
	[sflag:s23] =	ssyncadd.s32 $0xFFFFFFFF  }
0xa5: {  	s26 =	simm.s32 $execute0_lowered;
	[smem:$0x3FD2] =	sst s25  }
0xa6: {  	s5 =	sshll.u32 s26, $0x1;
	_ =	strace $0x80000046;
	[dreg:$0x1] =	wrdreg $0xFFFFFFFF  }
0xa7: {  	s28 =	simm.s32 $_size_execute0_lowered;
	s3 =	sadd.s32 s3, s5;
	[dreg:$0x0] =	wrdreg $0x0  }
0xa8: {  	s5 =	sshll.u32 s28, $0x1;
	[dreg:$0x2] =	wrdreg s3  }
0xa9: {  	[dreg:$0x3] =	wrdreg s5  }
0xaa: {  	[dreg:$0x4] =	wrdreg $0xC0  }
0xab: {  	_ =	task [dreg:s7], $0x5FFFF  }
0xac: {  	[dreg:$0x1] =	wrdreg $0xFFFFFFFF  }
0xad: {  	[dreg:$0x0] =	wrdreg $0x60  }
0xae: {  	[dreg:$0x2] =	wrdreg s24  }
0xaf: {  	[dreg:$0x3] =	wrdreg s2  }
0xb0: {  	[dreg:$0x4] =	wrdreg $0x9  }
0xb1: {  	_ =	task.clear_ibuf [dreg:s7], $0x5FFFF;
	_ =	strace $0x90000046  }
0xb2: {  	s29 =	simm.s32 $0x9;
	_ =	strace $0x80000048  }
0xb3: {  	_ =	swait.ge [sflag:s29], $0x1  }
0xb4: {  	[sflag:s29] =	ssyncadd.s32 $0xFFFFFFFF  }
0xb5: {  	_ =	strace $0x90000048  }
0xb6: {  	_ =	sfence  }
0xb7: {  	s30 =	sld [smem:$0x0];
	_ =	sdelay $0x2  }
0xb8: {  	s31 =	sshll.u32 s1, $0xD;
	s1 =	sshrl.u32 s1, $0x2  }
0xb9: {  	s3 =	sand.u32 $0x4000, s31;
	s1 =	sadd.s32 s1, s30  }
0xba: {  	s0 =	sor.u32 s3, s0;
	s1 =	sshll.u32 s1, $0x11  }
0xbb: {  	s0 =	sor.u32 s1, s0  }
0xbc: {  	s0 =	sadd.s32 $0x8F2B, s0  }
0xbd: {  	[sflag:s0] =	ssyncadd.remote.s32 $0x1  }
0xbe: {  	_ =	sfence.sel $0xFFFF  }
0xbf: {  	[dreg:$0x0] =	wrdreg $0xFFFFFFFF;
	(pc) =	sbr.abs _section_cstart, $3  }
0xc0: {  	[dreg:$0x1] =	wrdreg $0xFFFFFFFF  }
0xc1: {  	_ =	task.clear_ibuf [dreg:s7], $0x2FFFF;
	_ =	strace $0x9FFFFFFF  }
0xc2: {  	(tm) =	ssettm $0x7FFFFFFF  }
0xc3: {  	_ =	shalt  }
tec
execute0_lowered:
.L_overlay_start_1:
0x0: {  	(tag) =	ssettag $0x1  }
0x1: {  	s8 =	rddreg [dreg:$0x0];
	s0 =	srdreg.scid  }
0x2: {  	s2 =	rddreg [dreg:$0x1];
	s1 =	stileid.u32;
	s3 =	simm.s32 $0x0  }
0x3: {  	s5 =	simm.s32 $0x1;
	s15 =	simm.s32 $0x18F00;
	s16 =	simm.s32 $0x19F00  }
0x4: {  	s17 =	simm.s32 $0x18700;
	s18 =	simm.s32 $0x2;
	s20 =	simm.s32 $0x400  }
0x5: {  	s21 =	simm.s32 $0x0;
	s19 =	sand.u32 $0x1, s0;
	s0 =	rddreg [dreg:$0x2]  }
0x6: {  	[smem:$0x7FF] =	sst s3;
	s25 =	sshrl.u32 s1, $0x3;
	s7 =	sshll.u32 s1, $0x7  }
0x7: {  	s4 =	sor.u32 s19, s1;
	p1 =	seq.s32 s19, $0x1;
	_ =	strace $0x80000047  }
0x8: {  	s6 =	smul.u32 $0xC3800, s25;
	s7 =	sand.u32 $0x380, s7;
	p0 =	seq.s32 s4, $0x0  }
0x9: {  	s30 =	ssub.s32 $0x2, s19;
	s4 =	sadd.s32 $0x3A00, s8;
	p0 =	por !p0, !p1  }
0xa: {  	s31 =	sshrl.u32 s30, $0x1;
	s6 =	sor.u32 s7, s6;
	p0 =	por !p0, !p0  }
0xb: {  	s7 =	simm.s32 $0x1;
	s6 =	sshrl.u32 s6, $0x3;
	s5 =	simm.s32 @!p0 $0x0  }
0xc: {  	p1 =	seq.s32 s19, $0x0;
	s11 =	sadd.s32 s6, s8;
	s9 =	ssub.s32 s1, s5  }
0xd: {  	p0 =	sne.s32 s19, $0x0;
	s26 =	sshrl.u32 s9, $0x3;
	s6 =	smul.u32 $0x186A0, s9  }
0xe: {  	s19 =	simm.s32 $0x80;
	s28 =	sshll.u32 s9, $0x7;
	s10 =	smul.u32 $0xC3800, s26  }
.Ltmp0:
0xf: {  	s5 =	sadd.s32 $0x35A00, s8;
	s12 =	sand.u32 $0x380, s28;
	(pc) =	sbr.rel .LBB2_1-.Ltmp0, $4  }
0x10: {  	s11 =	sadd.s32 $0x38C00, s11;
	s29 =	sor.u32 s12, s10;
	s12 =	ssub.s32 s30, s31  }
0x11: {  	s13 =	sshrl.u32 s6, $0x3;
	s9 =	sshrl.u32 s29, $0x3;
	s12 =	smax.u32 s12, $0x1  }
0x12: {  	s14 =	sadd.s32 s9, s8;
	s8 =	sadd.s32 s4, s13;
	s9 =	sadd.s32 s2, s13  }
0x13: {  	v0 =	vimm.f32 $1.000000000e+00;
	s13 =	simm.s32 $0x3;
	s10 =	sadd.s32 $0x69A00, s14;
	s14 =	simm.s32 $0x19700  }
.LBB2_25:
0x14: {  	s22 =	smov.u32 s10  }
.LBB2_26:
0x15: {  	s21 =	sadd.s32 $0x1, s21  }
0x16: {  	p2 =	sne.s32 s21, s12  }
.Ltmp1:
0x17: {  	_ = 	snop;
	(pc) =	sbr.rel @!p2 .LBB2_27-.Ltmp1, $4  }
0x18: {  	[hbm4b:s22+s19] =	stream.strided.scatter [tilespmem:s3], [sflag:$0x3], $0x18700, s20, s19, $0x38;
	[tilespmem:$0x1A700] =	vst v63  }
0x19: {  	_ =	swait.ge [sflag:s13], $0x18700  }
0x1a: {  	[sflag:s13] =	ssyncset.done $0x0  }
0x1b: {  	[sflag:s13] =	ssyncadd.s32 $0xFFFE7900  }
.LBB2_1:
0x1c: {  	[tilespmem:s3], [sflag:$0x3] =	stream.linear.gather [hbm4b:s5+s3], $0x18700, $0x38;
	[tilespmem:$0x1A700] =	vst v63  }
0x1d: {  	_ =	swait.ge [sflag:s13], $0x18700  }
0x1e: {  	[sflag:s13] =	ssyncset.done $0x0  }
0x1f: {  	s22 =	simm.s32 @!p0 $0x0;
	s23 =	simm.s32 @!p0 $0x18700;
	[sflag:s13] =	ssyncadd.s32 $0xFFFE7900  }
0x20: {  	[tilespmem:s23], [sflag:$0x1] =	stream.linear.gather @!p0 [hbm4b:s8+s22], $0x7D0, $0x38;
	[tilespmem:$0x1A700] =	vst v63  }
0x21: {  	s22 =	simm.s32 $0x0  }
0x22: {  	[tilespmem:s14], [sflag:$0x1] =	stream.linear.gather [hbm4b:s9+s3], $0x7D0, $0x38;
	[tilespmem:$0x1A700] =	vst v63  }
.LBB2_2:
0x23: {  	s23 =	smul.u32 $0xFA0, s22  }
.Ltmp2:
0x24: {  	_ = 	snop;
	(pc) =	sbr.rel @p0 .LBB2_8-.Ltmp2, $4  }
0x25: {  	s23 =	sadd.s32 s6, s23  }
0x26: {  	s24 =	sadd.s32 $0x7D0, s23  }
0x27: {  	s25 =	sshrl.u32 s24, $0x3  }
0x28: {  	s24 =	sadd.s32 s2, s25  }
0x29: {  	s25 =	sadd.s32 s4, s25  }
0x2a: {  	[tilespmem:s15], [sflag:$0x2] =	stream.linear.gather [hbm4b:s25+s3], $0x7D0, $0x38;
	[tilespmem:$0x1A700] =	vst v63  }
0x2b: {  	_ = 	snop  }
0x2c: {  	[tilespmem:s16], [sflag:$0x2] =	stream.linear.gather [hbm4b:s24+s3], $0x7D0, $0x38;
	[tilespmem:$0x1A700] =	vst v63  }
0x2d: {  	_ =	swait.ge [sflag:s7], $0x7D0  }
0x2e: {  	[sflag:s7] =	ssyncset.done $0x0  }
0x2f: {  	[sflag:s7] =	ssyncadd.s32 $0xFFFFF830  }
0x30: {  	_ =	swait.ge [sflag:s7], $0x7D0  }
0x31: {  	[sflag:s7] =	ssyncset.done $0x0  }
0x32: {  	s26 =	simm.s32 $0x19740;
	[sflag:s7] =	ssyncadd.s32 $0xFFFFF830  }
0x33: {  	v1 =	vld [tilespmem:s26+$0x30]  }
0x34: {  	v2 =	vld [tilespmem:s26+$0xFFFFFFD0]  }
0x35: {  	s25 =	simm.s32 $0x18740;
	v3 =	vld [tilespmem:s26+$0xFFFFFFE0]  }
0x36: {  	v4 =	vld [tilespmem:s25+$0x30]  }
0x37: {  	v5 =	vld [tilespmem:s26+$0xFFFFFFF0]  }
0x38: {  	v6 =	vld [tilespmem:s26+$0x0]  }
0x39: {  	v7 =	vld [tilespmem:s26+$0x10]  }
0x3a: {  	v8 =	vld [tilespmem:s26+$0x20]  }
0x3b: {  	v63 =	vld [tilespmem:s25+$0xFFFFFFC0]  }
0x3c: {  	v9 =	vld [tilespmem:s25+$0xFFFFFFD0]  }
0x3d: {  	v10 =	vld [tilespmem:s25+$0xFFFFFFE0]  }
0x3e: {  	v11 =	vld [tilespmem:s25+$0xFFFFFFF0]  }
0x3f: {  	v12 =	vld [tilespmem:s25+$0x0]  }
0x40: {  	s24 =	simm.s32 $0x0;
	v13 =	vld [tilespmem:s25+$0x10]  }
0x41: {  	[tilespmem:v1+s24+$0x0] =	vst.idx.add.f32.msk $0xffff, v4  }
0x42: {  	v1 =	vld [tilespmem:s26+$0xFFFFFFC0]  }
0x43: {  	v14 =	vld [tilespmem:s25+$0x20]  }
0x44: {  	[tilespmem:v2+s24+$0x0] =	vst.idx.add.f32.msk $0xffff, v9  }
0x45: {  	[tilespmem:v3+s24+$0x0] =	vst.idx.add.f32.msk $0xffff, v10  }
0x46: {  	[tilespmem:v5+s24+$0x0] =	vst.idx.add.f32.msk $0xffff, v11  }
0x47: {  	[tilespmem:v6+s24+$0x0] =	vst.idx.add.f32.msk $0xffff, v12  }
0x48: {  	[tilespmem:v7+s24+$0x0] =	vst.idx.add.f32.msk $0xffff, v13  }
0x49: {  	[tilespmem:v8+s24+$0x0] =	vst.idx.add.f32.msk $0xffff, v14  }
0x4a: {  	s28 =	simm.s32 $0x197C0;
	s26 =	simm.s32 $0x0;
	[tilespmem:v1+s24+$0x0] =	vst.idx.add.f32.msk $0xffff, v63  }
.LBB2_4:
0x4b: {  	v1 =	vld [tilespmem:s28+$0x30];
	s26 =	sadd.s32 $0x8, s26  }
0x4c: {  	v2 =	vld [tilespmem:s28+$0xFFFFFFD0];
	p2 =	slt.u32 s26, $0x70  }
0x4d: {  	s25 =	sadd.s32 $0x80, s25;
	v3 =	vld [tilespmem:s28+$0xFFFFFFE0]  }
0x4e: {  	v4 =	vld [tilespmem:s25+$0x30]  }
0x4f: {  	v5 =	vld [tilespmem:s28+$0xFFFFFFF0]  }
0x50: {  	v6 =	vld [tilespmem:s28+$0x0]  }
0x51: {  	v7 =	vld [tilespmem:s28+$0x10]  }
0x52: {  	v8 =	vld [tilespmem:s28+$0x20]  }
0x53: {  	[tilespmem:v1+s24+$0x0] =	vst.idx.add.f32.msk $0xffff, v4  }
0x54: {  	v1 =	vld [tilespmem:s28+$0xFFFFFFC0]  }
0x55: {  	v4 =	vld [tilespmem:s25+$0xFFFFFFC0]  }
0x56: {  	v9 =	vld [tilespmem:s25+$0xFFFFFFD0]  }
0x57: {  	v10 =	vld [tilespmem:s25+$0xFFFFFFE0]  }
0x58: {  	v11 =	vld [tilespmem:s25+$0xFFFFFFF0]  }
0x59: {  	v12 =	vld [tilespmem:s25+$0x0]  }
0x5a: {  	v13 =	vld [tilespmem:s25+$0x10]  }
0x5b: {  	v14 =	vld [tilespmem:s25+$0x20]  }
0x5c: {  	[tilespmem:v1+s24+$0x0] =	vst.idx.add.f32.msk $0xffff, v4  }
0x5d: {  	[tilespmem:v2+s24+$0x0] =	vst.idx.add.f32.msk $0xffff, v9  }
.Ltmp3:
0x5e: {  	[tilespmem:v3+s24+$0x0] =	vst.idx.add.f32.msk $0xffff, v10;
	(pc) =	sbr.rel @p2 .LBB2_4-.Ltmp3, $4  }
0x5f: {  	[tilespmem:v5+s24+$0x0] =	vst.idx.add.f32.msk $0xffff, v11  }
0x60: {  	[tilespmem:v6+s24+$0x0] =	vst.idx.add.f32.msk $0xffff, v12  }
0x61: {  	[tilespmem:v7+s24+$0x0] =	vst.idx.add.f32.msk $0xffff, v13  }
0x62: {  	s28 =	sadd.s32 $0x80, s28;
	[tilespmem:v8+s24+$0x0] =	vst.idx.add.f32.msk $0xffff, v14  }
.LBB2_5:
0x63: {  	s25 =	sshra.s32 s24, $0x2  }
0x64: {  	v1 =	vld [tilespmem:s25+$0x19E80];
	_ =	sdelay $0x2  }
0x65: {  	p2 =	seq.s32 s24, $0x100;
	v2 =	vld [tilespmem:s25+$0x18E80]  }
.Ltmp4:
0x66: {  	_ = 	snop;
	(pc) =	sbr.rel @!p2 .LBB2_5-.Ltmp4, $2  }
0x67: {  	_ =	sdelay $0x2  }
0x68: {  	s24 =	sadd.s32 $0x40, s24;
	[tilespmem:v1+s3+$0x0] =	vst.idx.add.f32.msk $0xffff, v2  }
0x69: {  	p2 =	seq.s32 s22, $0x18  }
.Ltmp5:
0x6a: {  	_ = 	snop;
	(pc) =	sbr.rel @p2 .LBB2_15-.Ltmp5, $1  }
0x6b: {  	_ =	sdelay $0x3  }
.Ltmp6:
0x6c: {  	(pc) =	sbr.rel .LBB2_14-.Ltmp6, $4  }
0x6d: {  	s23 =	sadd.s32 $0xFA0, s23  }
0x6e: {  	s23 =	sshrl.u32 s23, $0x3  }
0x6f: {  	s24 =	sadd.s32 s4, s23  }
0x70: {  	[tilespmem:s17], [sflag:$0x1] =	stream.linear.gather [hbm4b:s24+s3], $0x7D0, $0x38;
	[tilespmem:$0x1A700] =	vst v63  }
.LBB2_8:
0x71: {  	[tilespmem:s16], [sflag:$0x2] =	stream.linear.gather [hbm4b:s24+s3], $0x7D0, $0x38;
	[tilespmem:$0x1A700] =	vst v63  }
0x72: {  	_ =	swait.ge [sflag:s7], $0x7D0  }
0x73: {  	[sflag:s7] =	ssyncset.done $0x0  }
0x74: {  	s25 =	simm.s32 $0x19740;
	[sflag:s7] =	ssyncadd.s32 $0xFFFFF830  }
0x75: {  	v2 =	vld [tilespmem:s25+$0xFFFFFFC0]  }
0x76: {  	v3 =	vld [tilespmem:s25+$0x30]  }
0x77: {  	v4 =	vld [tilespmem:s25+$0x20]  }
0x78: {  	v5 =	vld [tilespmem:s25+$0x10]  }
0x79: {  	v6 =	vld [tilespmem:s25+$0x0]  }
0x7a: {  	v7 =	vld [tilespmem:s25+$0xFFFFFFF0]  }
0x7b: {  	v8 =	vld [tilespmem:s25+$0xFFFFFFE0]  }
0x7c: {  	s24 =	simm.s32 $0x0;
	v1 =	vld [tilespmem:s25+$0xFFFFFFD0]  }
0x7d: {  	[tilespmem:v2+s24+$0x0] =	vst.idx.add.f32.msk $0xffff, v0  }
0x7e: {  	[tilespmem:v3+s24+$0x0] =	vst.idx.add.f32.msk $0xffff, v0  }
0x7f: {  	[tilespmem:v4+s24+$0x0] =	vst.idx.add.f32.msk $0xffff, v0  }
0x80: {  	[tilespmem:v5+s24+$0x0] =	vst.idx.add.f32.msk $0xffff, v0  }
0x81: {  	[tilespmem:v6+s24+$0x0] =	vst.idx.add.f32.msk $0xffff, v0  }
0x82: {  	[tilespmem:v7+s24+$0x0] =	vst.idx.add.f32.msk $0xffff, v0  }
0x83: {  	s26 =	simm.s32 $0x0;
	[tilespmem:v8+s24+$0x0] =	vst.idx.add.f32.msk $0xffff, v0  }
.LBB2_9:
0x84: {  	s26 =	sadd.s32 $0x8, s26;
	[tilespmem:v1+s24+$0x0] =	vst.idx.add.f32.msk $0xffff, v0;
	s25 =	sadd.s32 $0x80, s25  }
0x85: {  	v2 =	vld [tilespmem:s25+$0xFFFFFFC0];
	p2 =	slt.u32 s26, $0x70  }
0x86: {  	v3 =	vld [tilespmem:s25+$0x30]  }
0x87: {  	v4 =	vld [tilespmem:s25+$0x20]  }
0x88: {  	v5 =	vld [tilespmem:s25+$0x10]  }
0x89: {  	v6 =	vld [tilespmem:s25+$0x0]  }
0x8a: {  	v7 =	vld [tilespmem:s25+$0xFFFFFFF0]  }
0x8b: {  	v8 =	vld [tilespmem:s25+$0xFFFFFFE0]  }
0x8c: {  	v1 =	vld [tilespmem:s25+$0xFFFFFFD0]  }
0x8d: {  	[tilespmem:v2+s24+$0x0] =	vst.idx.add.f32.msk $0xffff, v0  }
0x8e: {  	[tilespmem:v3+s24+$0x0] =	vst.idx.add.f32.msk $0xffff, v0  }
.Ltmp7:
0x8f: {  	[tilespmem:v4+s24+$0x0] =	vst.idx.add.f32.msk $0xffff, v0;
	(pc) =	sbr.rel @p2 .LBB2_9-.Ltmp7, $4  }
0x90: {  	[tilespmem:v5+s24+$0x0] =	vst.idx.add.f32.msk $0xffff, v0  }
0x91: {  	[tilespmem:v6+s24+$0x0] =	vst.idx.add.f32.msk $0xffff, v0  }
0x92: {  	[tilespmem:v7+s24+$0x0] =	vst.idx.add.f32.msk $0xffff, v0  }
0x93: {  	[tilespmem:v8+s24+$0x0] =	vst.idx.add.f32.msk $0xffff, v0  }
0x94: {  	_ =	sdelay $0x3  }
0x95: {  	[tilespmem:v1+s24+$0x0] =	vst.idx.add.f32.msk $0xffff, v0  }
.LBB2_11:
0x96: {  	s25 =	sshra.s32 s24, $0x2  }
0x97: {  	v1 =	vld [tilespmem:s25+$0x19E80];
	_ =	sdelay $0x2  }
0x98: {  	p2 =	sne.s32 s24, $0x100  }
.Ltmp8:
0x99: {  	_ = 	snop;
	(pc) =	sbr.rel @p2 .LBB2_11-.Ltmp8, $2  }
0x9a: {  	_ =	sdelay $0x2  }
0x9b: {  	s24 =	sadd.s32 $0x40, s24;
	[tilespmem:v1+s3+$0x0] =	vst.idx.add.f32.msk $0xffff, v0  }
0x9c: {  	p2 =	seq.s32 s22, $0x18  }
.Ltmp9:
0x9d: {  	_ = 	snop;
	(pc) =	sbr.rel @p2 .LBB2_20-.Ltmp9, $1  }
0x9e: {  	_ =	sdelay $0x3  }
0x9f: {  	s23 =	sadd.s32 $0xFA0, s23  }
0xa0: {  	s23 =	sshrl.u32 s23, $0x3  }
.LBB2_14:
.Ltmp10:
0xa1: {  	(pc) =	sbr.rel @p0 .LBB2_20-.Ltmp10, $3  }
0xa2: {  	_ =	sdelay $0x1  }
0xa3: {  	s23 =	sadd.s32 s2, s23  }
0xa4: {  	[tilespmem:s14], [sflag:$0x1] =	stream.linear.gather [hbm4b:s23+s3], $0x7D0, $0x38;
	[tilespmem:$0x1A700] =	vst v63  }
.LBB2_15:
0xa5: {  	_ =	swait.ge [sflag:s18], $0x7D0  }
0xa6: {  	[sflag:s18] =	ssyncset.done $0x0  }
0xa7: {  	[sflag:s18] =	ssyncadd.s32 $0xFFFFF830  }
0xa8: {  	_ =	swait.ge [sflag:s18], $0x7D0  }
0xa9: {  	[sflag:s18] =	ssyncset.done $0x0  }
0xaa: {  	s25 =	simm.s32 $0x19F40;
	[sflag:s18] =	ssyncadd.s32 $0xFFFFF830  }
0xab: {  	v1 =	vld [tilespmem:s25+$0x30]  }
0xac: {  	v2 =	vld [tilespmem:s25+$0xFFFFFFD0]  }
0xad: {  	s24 =	simm.s32 $0x18F40;
	v3 =	vld [tilespmem:s25+$0xFFFFFFE0]  }
0xae: {  	v4 =	vld [tilespmem:s24+$0x30]  }
0xaf: {  	v5 =	vld [tilespmem:s25+$0xFFFFFFF0]  }
0xb0: {  	v6 =	vld [tilespmem:s25+$0x0]  }
0xb1: {  	v7 =	vld [tilespmem:s25+$0x10]  }
0xb2: {  	v8 =	vld [tilespmem:s25+$0x20]  }
0xb3: {  	v63 =	vld [tilespmem:s24+$0xFFFFFFC0]  }
0xb4: {  	v9 =	vld [tilespmem:s24+$0xFFFFFFD0]  }
0xb5: {  	v10 =	vld [tilespmem:s24+$0xFFFFFFE0]  }
0xb6: {  	v11 =	vld [tilespmem:s24+$0xFFFFFFF0]  }
0xb7: {  	v12 =	vld [tilespmem:s24+$0x0]  }
0xb8: {  	s23 =	simm.s32 $0x0;
	v13 =	vld [tilespmem:s24+$0x10]  }
0xb9: {  	[tilespmem:v1+s23+$0x0] =	vst.idx.add.f32.msk $0xffff, v4  }
0xba: {  	v1 =	vld [tilespmem:s25+$0xFFFFFFC0]  }
0xbb: {  	v14 =	vld [tilespmem:s24+$0x20]  }
0xbc: {  	[tilespmem:v2+s23+$0x0] =	vst.idx.add.f32.msk $0xffff, v9  }
0xbd: {  	[tilespmem:v3+s23+$0x0] =	vst.idx.add.f32.msk $0xffff, v10  }
0xbe: {  	[tilespmem:v5+s23+$0x0] =	vst.idx.add.f32.msk $0xffff, v11  }
0xbf: {  	[tilespmem:v6+s23+$0x0] =	vst.idx.add.f32.msk $0xffff, v12  }
0xc0: {  	[tilespmem:v7+s23+$0x0] =	vst.idx.add.f32.msk $0xffff, v13  }
0xc1: {  	[tilespmem:v8+s23+$0x0] =	vst.idx.add.f32.msk $0xffff, v14  }
0xc2: {  	s26 =	simm.s32 $0x19FC0;
	s25 =	simm.s32 $0x0;
	[tilespmem:v1+s23+$0x0] =	vst.idx.add.f32.msk $0xffff, v63  }
.LBB2_16:
0xc3: {  	v1 =	vld [tilespmem:s26+$0x30];
	s25 =	sadd.s32 $0x8, s25  }
0xc4: {  	v2 =	vld [tilespmem:s26+$0xFFFFFFD0];
	p2 =	slt.u32 s25, $0x70  }
0xc5: {  	s24 =	sadd.s32 $0x80, s24;
	v3 =	vld [tilespmem:s26+$0xFFFFFFE0]  }
0xc6: {  	v4 =	vld [tilespmem:s24+$0x30]  }
0xc7: {  	v5 =	vld [tilespmem:s26+$0xFFFFFFF0]  }
0xc8: {  	v6 =	vld [tilespmem:s26+$0x0]  }
0xc9: {  	v7 =	vld [tilespmem:s26+$0x10]  }
0xca: {  	v8 =	vld [tilespmem:s26+$0x20]  }
0xcb: {  	[tilespmem:v1+s23+$0x0] =	vst.idx.add.f32.msk $0xffff, v4  }
0xcc: {  	v1 =	vld [tilespmem:s26+$0xFFFFFFC0]  }
0xcd: {  	v4 =	vld [tilespmem:s24+$0xFFFFFFC0]  }
0xce: {  	v9 =	vld [tilespmem:s24+$0xFFFFFFD0]  }
0xcf: {  	v10 =	vld [tilespmem:s24+$0xFFFFFFE0]  }
0xd0: {  	v11 =	vld [tilespmem:s24+$0xFFFFFFF0]  }
0xd1: {  	v12 =	vld [tilespmem:s24+$0x0]  }
0xd2: {  	v13 =	vld [tilespmem:s24+$0x10]  }
0xd3: {  	v14 =	vld [tilespmem:s24+$0x20]  }
0xd4: {  	[tilespmem:v1+s23+$0x0] =	vst.idx.add.f32.msk $0xffff, v4  }
0xd5: {  	[tilespmem:v2+s23+$0x0] =	vst.idx.add.f32.msk $0xffff, v9  }
.Ltmp11:
0xd6: {  	[tilespmem:v3+s23+$0x0] =	vst.idx.add.f32.msk $0xffff, v10;
	(pc) =	sbr.rel @p2 .LBB2_16-.Ltmp11, $4  }
0xd7: {  	[tilespmem:v5+s23+$0x0] =	vst.idx.add.f32.msk $0xffff, v11  }
0xd8: {  	[tilespmem:v6+s23+$0x0] =	vst.idx.add.f32.msk $0xffff, v12  }
0xd9: {  	[tilespmem:v7+s23+$0x0] =	vst.idx.add.f32.msk $0xffff, v13  }
0xda: {  	s26 =	sadd.s32 $0x80, s26;
	[tilespmem:v8+s23+$0x0] =	vst.idx.add.f32.msk $0xffff, v14  }
.LBB2_17:
0xdb: {  	s24 =	sshra.s32 s23, $0x2  }
0xdc: {  	v1 =	vld [tilespmem:s24+$0x1A680];
	_ =	sdelay $0x2  }
0xdd: {  	p2 =	seq.s32 s23, $0x100;
	v2 =	vld [tilespmem:s24+$0x19680]  }
.Ltmp12:
0xde: {  	_ = 	snop;
	(pc) =	sbr.rel @!p2 .LBB2_17-.Ltmp12, $2  }
0xdf: {  	_ =	sdelay $0x2  }
0xe0: {  	s23 =	sadd.s32 $0x40, s23;
	[tilespmem:v1+s3+$0x0] =	vst.idx.add.f32.msk $0xffff, v2  }
0xe1: {  	s22 =	sadd.s32 $0x1, s22  }
0xe2: {  	p2 =	seq.s32 s22, $0x19  }
.Ltmp13:
0xe3: {  	_ = 	snop;
	(pc) =	sbr.rel @!p2 .LBB2_2-.Ltmp13, $4  }
.Ltmp14:
0xe4: {  	_ = 	snop;
	(pc) =	sbr.rel @p2 .LBB2_19-.Ltmp14, $4  }
0xe5: {  	_ = 	snop  }
0xe6: {  	_ = 	snop  }
0xe7: {  	_ = 	snop  }
0xe8: {  	_ = 	snop  }
.LBB2_20:
0xe9: {  	_ =	swait.ge [sflag:s18], $0x7D0  }
0xea: {  	[sflag:s18] =	ssyncset.done $0x0  }
0xeb: {  	s24 =	simm.s32 $0x19F40;
	[sflag:s18] =	ssyncadd.s32 $0xFFFFF830  }
0xec: {  	v2 =	vld [tilespmem:s24+$0xFFFFFFC0]  }
0xed: {  	v3 =	vld [tilespmem:s24+$0x30]  }
0xee: {  	v4 =	vld [tilespmem:s24+$0x20]  }
0xef: {  	v5 =	vld [tilespmem:s24+$0x10]  }
0xf0: {  	v6 =	vld [tilespmem:s24+$0x0]  }
0xf1: {  	v7 =	vld [tilespmem:s24+$0xFFFFFFF0]  }
0xf2: {  	v8 =	vld [tilespmem:s24+$0xFFFFFFE0]  }
0xf3: {  	s23 =	simm.s32 $0x0;
	v1 =	vld [tilespmem:s24+$0xFFFFFFD0]  }
0xf4: {  	[tilespmem:v2+s23+$0x0] =	vst.idx.add.f32.msk $0xffff, v0  }
0xf5: {  	[tilespmem:v3+s23+$0x0] =	vst.idx.add.f32.msk $0xffff, v0  }
0xf6: {  	[tilespmem:v4+s23+$0x0] =	vst.idx.add.f32.msk $0xffff, v0  }
0xf7: {  	[tilespmem:v5+s23+$0x0] =	vst.idx.add.f32.msk $0xffff, v0  }
0xf8: {  	[tilespmem:v6+s23+$0x0] =	vst.idx.add.f32.msk $0xffff, v0  }
0xf9: {  	[tilespmem:v7+s23+$0x0] =	vst.idx.add.f32.msk $0xffff, v0  }
0xfa: {  	s25 =	simm.s32 $0x0;
	[tilespmem:v8+s23+$0x0] =	vst.idx.add.f32.msk $0xffff, v0  }
.LBB2_21:
0xfb: {  	s25 =	sadd.s32 $0x8, s25;
	[tilespmem:v1+s23+$0x0] =	vst.idx.add.f32.msk $0xffff, v0;
	s24 =	sadd.s32 $0x80, s24  }
0xfc: {  	v2 =	vld [tilespmem:s24+$0xFFFFFFC0];
	p2 =	slt.u32 s25, $0x70  }
0xfd: {  	v3 =	vld [tilespmem:s24+$0x30]  }
0xfe: {  	v4 =	vld [tilespmem:s24+$0x20]  }
0xff: {  	v5 =	vld [tilespmem:s24+$0x10]  }
0x100: {  	v6 =	vld [tilespmem:s24+$0x0]  }
0x101: {  	v7 =	vld [tilespmem:s24+$0xFFFFFFF0]  }
0x102: {  	v8 =	vld [tilespmem:s24+$0xFFFFFFE0]  }
0x103: {  	v1 =	vld [tilespmem:s24+$0xFFFFFFD0]  }
0x104: {  	[tilespmem:v2+s23+$0x0] =	vst.idx.add.f32.msk $0xffff, v0  }
0x105: {  	[tilespmem:v3+s23+$0x0] =	vst.idx.add.f32.msk $0xffff, v0  }
.Ltmp15:
0x106: {  	[tilespmem:v4+s23+$0x0] =	vst.idx.add.f32.msk $0xffff, v0;
	(pc) =	sbr.rel @p2 .LBB2_21-.Ltmp15, $4  }
0x107: {  	[tilespmem:v5+s23+$0x0] =	vst.idx.add.f32.msk $0xffff, v0  }
0x108: {  	[tilespmem:v6+s23+$0x0] =	vst.idx.add.f32.msk $0xffff, v0  }
0x109: {  	[tilespmem:v7+s23+$0x0] =	vst.idx.add.f32.msk $0xffff, v0  }
0x10a: {  	[tilespmem:v8+s23+$0x0] =	vst.idx.add.f32.msk $0xffff, v0  }
0x10b: {  	_ =	sdelay $0x3  }
0x10c: {  	[tilespmem:v1+s23+$0x0] =	vst.idx.add.f32.msk $0xffff, v0  }
.LBB2_23:
0x10d: {  	s24 =	sshra.s32 s23, $0x2  }
0x10e: {  	v1 =	vld [tilespmem:s24+$0x1A680];
	_ =	sdelay $0x2  }
0x10f: {  	p2 =	seq.s32 s23, $0x100  }
.Ltmp16:
0x110: {  	_ = 	snop;
	(pc) =	sbr.rel @!p2 .LBB2_23-.Ltmp16, $2  }
0x111: {  	_ =	sdelay $0x2  }
0x112: {  	s23 =	sadd.s32 $0x40, s23;
	[tilespmem:v1+s3+$0x0] =	vst.idx.add.f32.msk $0xffff, v0  }
0x113: {  	s22 =	sadd.s32 $0x1, s22  }
0x114: {  	p2 =	seq.s32 s22, $0x19  }
.Ltmp17:
0x115: {  	_ = 	snop;
	(pc) =	sbr.rel @!p2 .LBB2_2-.Ltmp17, $4  }
.Ltmp18:
0x116: {  	_ = 	snop;
	(pc) =	sbr.rel @p2 .LBB2_25-.Ltmp18, $4  }
0x117: {  	_ = 	snop  }
0x118: {  	_ = 	snop  }
0x119: {  	_ = 	snop  }
0x11a: {  	_ = 	snop  }
.LBB2_19:
.Ltmp19:
0x11b: {  	(pc) =	sbr.rel @p1 .LBB2_26-.Ltmp19, $4  }
.Ltmp20:
0x11c: {  	(pc) =	sbr.rel @!p1 .LBB2_25-.Ltmp20, $4  }
0x11d: {  	_ = 	snop  }
0x11e: {  	_ = 	snop  }
0x11f: {  	s22 =	smov.u32 s11  }
0x120: {  	_ = 	snop  }
.LBB2_27:
0x121: {  	_ =	sfence.sel $0x180000  }
0x122: {  	[bflag:$0x0] =	sbarrier.arrive $0xFFFF  }
0x123: {  	p0 =	sne.s32 s1, $0x0;
	_ =	strace $0x90000047  }
0x124: {  	s0 =	sadd.s32 @!p0 $0x100000, s0;
	[bflag:$0x2] =	sbarrier.arrive $0xFFFF  }
0x125: {  	[sflag:s0] =	ssyncadd.tile.s32 @!p0 $0x1;
	_ =	shalt  }
.Lfunc_end2:
_tile_overlayer_lowered:
.L_overlay_start_2:
0x126: {  	(tag) =	ssettag $0x2  }
0x127: {  	s0 =	rddreg [dreg:$0x0];
	s2 =	stileid.u32  }
0x128: {  	s1 =	rddreg [dreg:$0x1];
	p0 =	sne.s32 s2, $0x0  }
0x129: {  	s3 =	rddreg [dreg:$0x2];
	[bflag:$0x3] =	sbarrier.arrive $0xFFFF;
	s2 =	simm.s32 @!p0 $0x1C03  }
0x12a: {  	[timem:s3], [sflag:s2] =	dma.local @!p0 [hbm:s0], s1  }
0x12b: {  	s0 =	simm.s32 @!p0 $0x3  }
0x12c: {  	_ =	swait.ge @!p0 [sflag:s0], s1  }
0x12d: {  	s1 =	ssub.s32 @!p0 $0x0, s1;
	[sflag:s0] =	ssyncset.done @!p0 $0x0  }
0x12e: {  	[sflag:s0] =	ssyncadd.s32 @!p0 s1  }
0x12f: {  	[bflag:$0x3] =	sbarrier.arrive $0xFFFF  }
0x130: {  	_ =	shalt  }

</sc_bundles>
